<compile_context>
chip_gen: v7x
topology: tpu7x:2x2x1
jax: 0.10.2.dev20260603
libtpu: 0.0.44.dev20260713+nightly
codegen_flags: <defaults>
</compile_context>

<pallas_src>
import jax
import jax.numpy as jnp
from jax import lax
from jax.experimental import pallas as pl
from jax.experimental.pallas import tpu as pltpu
from jax.experimental.pallas import tpu_sc as plsc

N_NODES = 32
NC = 2
NS = 16
NW = NC * NS
L = 16


def _sc_body(ev_hbm, logits_hbm, out_hbm, ev_v, tbl_v, out_v):
    wid = lax.axis_index("s") * NC + lax.axis_index("c")
    seg = ev_hbm.shape[1] // NW
    base = wid * seg

    pltpu.sync_copy(ev_hbm.at[:, pl.ds(base, seg)], ev_v)
    pltpu.sync_copy(logits_hbm, tbl_v)

    one = jnp.ones((L,), jnp.float32)
    zero = jnp.zeros((L,), jnp.int32)
    seven = jnp.full((L,), 7, jnp.int32)

    for r in range(8):
        for o in (0, L):
            x = tbl_v[r, pl.ds(o, L)]
            tbl_v[r, pl.ds(o, L)] = one / (one + jnp.exp(-x))

    nodes = [jnp.full((L,), i, jnp.int32) for i in range(N_NODES)]

    @plsc.parallel_loop(0, seg // L, unroll=2)
    def vec_body(vb):
        off = vb * L
        conf = ev_v[0, pl.ds(off, L)] >> 1
        for i in range(N_NODES):
            out_v[i, pl.ds(off, L)] = plsc.load_gather(tbl_v, [conf, nodes[i]])
            if i + 1 < N_NODES:
                e = ev_v[i, pl.ds(off, L)]
                conf = ((conf << 1) | e) & seven

    pltpu.sync_copy(out_v, out_hbm.at[:, pl.ds(base, seg)])


def kernel(evidence_tensor, logits):
    B, n = evidence_tensor.shape
    ev_t = evidence_tensor.astype(jnp.int32).T
    logits_t = logits.T
    seg = B // NW

    mesh = plsc.VectorSubcoreMesh(core_axis_name="c", subcore_axis_name="s")
    out_t = pl.kernel(
        _sc_body,
        out_type=jax.ShapeDtypeStruct((n, B), jnp.float32),
        mesh=mesh,
        compiler_params=pltpu.CompilerParams(
            needs_layout_passes=False,
            use_tc_tiling_on_sc=True,
            disable_bounds_checks=True,
        ),
        scratch_types=[
            pltpu.VMEM((N_NODES, seg), jnp.int32),
            pltpu.VMEM((8, N_NODES), jnp.float32),
            pltpu.VMEM((N_NODES, seg), jnp.float32),
        ],
    )(ev_t, logits_t)
    return out_t.T

# --- scband reference (transcript-rebuilt; emitter-appended) ---
"""Pipeline reference for scband-bayesian-torch-model-37022618092110 (READ-ONLY COPY).

The authoritative reference and input builder live on the scoring server;
editing this copy changes nothing except your own understanding.
"""

import jax, jax.numpy as jnp
import numpy as np

N_NODES = 32
B = 16384


def setup_inputs(seed: int = 0) -> dict:
    key = jax.random.key(seed)
    k1, k2 = jax.random.split(key)
    # evidence values in {0, 1} (observed binary states)
    evidence_tensor = jax.random.randint(k1, (B, N_NODES), 0, 2)
    # Learned CPT logits, padded to max 2^3 = 8 configs per node.
    # Matches torch init: p ~ U(0.1, 0.9), logits = log(p / (1 - p)).
    init_p = jax.random.uniform(k2, (N_NODES, 8), dtype=jnp.float32) * 0.8 + 0.1
    logits = jnp.log(init_p / (1.0 - init_p))
    # Node 0 has no parents: torch initializes its single logit to 0 (p = 0.5).
    logits = logits.at[0, 0].set(0.0)
    return {"evidence_tensor": evidence_tensor, "logits": logits}


def _forward(logits, ev):
    # ev: int32 [B, 32]; logits: float32 [32, 8]
    Bloc = ev.shape[0]
    # node 0: k=0, prior
    col0 = jnp.broadcast_to(jax.nn.sigmoid(logits[0, 0]), (Bloc,))
    # node 1: parent [n0], conf = ev[:, 0] << 0
    conf1 = ev[:, 0]
    col1 = jax.nn.sigmoid(logits[1][conf1])
    # node 2: parents [n0, n1], conf = ev[:, 0] << 1 | ev[:, 1]
    conf2 = (ev[:, 0] << 1) + ev[:, 1]
    col2 = jax.nn.sigmoid(logits[2][conf2])
    # nodes 3..31: parents [i-3, i-2, i-1], conf = ev[i-3]<<2 | ev[i-2]<<1 | ev[i-1]
    conf = (ev[:, 0:N_NODES - 3] << 2) + (ev[:, 1:N_NODES - 2] << 1) + ev[:, 2:N_NODES - 1]  # [B, 29]
    rest = logits[3:]  # [29, 8]
    node_idx = jnp.arange(N_NODES - 3)[None, :]  # [1, 29]
    gathered = rest[node_idx, conf]  # gather per (node, config) -> [B, 29]
    cols_rest = jax.nn.sigmoid(gathered)
    head = jnp.stack([col0, col1, col2], axis=1)
    return jnp.concatenate([head, cols_rest], axis=1)  # [B, 32] marginals


def reference(evidence_tensor, logits):
    ev = evidence_tensor.astype(jnp.int32)
    return _forward(logits, ev)

if __name__ == "__main__":
    import jax
    _d = setup_inputs()
    print(jax.jit(kernel)(*tuple(_d.values())))

</pallas_src>

<mosaic_0001>
#map = affine_map<(d0, d1) -> (0, 0)>
module attributes {stable_mosaic.version = 14 : i64} {
  func.func @_sc_body(%arg0: i32, %arg1: i32, %arg2: memref<32x16384xi32, #tpu.memory_space<hbm>>, %arg3: memref<8x32xf32, #tpu.memory_space<hbm>>, %arg4: memref<32x16384xf32, #tpu.memory_space<hbm>>, %arg5: memref<32x512xi32, #tpu.memory_space<vmem>>, %arg6: memref<8x32xf32, #tpu.memory_space<vmem>>, %arg7: memref<32x512xf32, #tpu.memory_space<vmem>>) attributes {dimension_semantics = [#tpu.dimension_semantics<core_parallel>, #tpu.dimension_semantics<subcore_parallel>], iteration_bounds = array<i64: 2, 16>, scalar_prefetch = 0 : i64, scratch_operands = 3 : i64, tpu.core_type = #tpu.core_type<sc_vector_subcore>, window_params = [{transform_indices = #map}, {transform_indices = #map}, {transform_indices = #map}]} {
    %mul3A = arith.constant 2 : i32
    %mul3A_0 = arith.muli %arg1, %mul3A : i32
    %add3A = arith.addi %mul3A_0, %arg0 : i32
    %mul3A_1 = arith.constant 512 : i32
    %mul3A_2 = arith.muli %add3A, %mul3A_1 : i32
    "tpu.region"() ({
      %run_scoped3A = tpu.sem_alloc : memref<!tpu.dma_semaphore, #tpu.memory_space<semaphore_mem>>
      %dma_start3A = arith.constant 0 : i32
      %dma_start3A_293 = tpu.memref_slice %arg2[%dma_start3A, %mul3A_2] : memref<32x16384xi32, #tpu.memory_space<hbm>> -> memref<32x512xi32, #tpu.memory_space<hbm>>
      %dma_start3A_294 = arith.constant 0 : i32
      %dma_start3A_295 = tpu.memref_slice %arg2[%dma_start3A_294, %mul3A_2] : memref<32x16384xi32, #tpu.memory_space<hbm>> -> memref<32x512xi32, #tpu.memory_space<hbm>>
      tpu.enqueue_dma source(%dma_start3A_295 : memref<32x512xi32, #tpu.memory_space<hbm>>) target(%arg5 : memref<32x512xi32, #tpu.memory_space<vmem>>) target_semaphore(%run_scoped3A : memref<!tpu.dma_semaphore, #tpu.memory_space<semaphore_mem>>)
      %dma_wait3A = arith.constant 0 : i32
      %dma_wait3A_296 = tpu.memref_slice %arg2[%dma_wait3A, %mul3A_2] : memref<32x16384xi32, #tpu.memory_space<hbm>> -> memref<32x512xi32, #tpu.memory_space<hbm>>
      %dma_wait3A_297 = arith.constant 0 : i32
      %dma_wait3A_298 = tpu.memref_slice %arg2[%dma_wait3A_297, %mul3A_2] : memref<32x16384xi32, #tpu.memory_space<hbm>> -> memref<32x512xi32, #tpu.memory_space<hbm>>
      tpu.wait_dma2 semaphore(%run_scoped3A : memref<!tpu.dma_semaphore, #tpu.memory_space<semaphore_mem>>) src(%dma_wait3A_298 : memref<32x512xi32, #tpu.memory_space<hbm>>) dst(%arg5 : memref<32x512xi32, #tpu.memory_space<vmem>>)
      tpu.yield
    }) : () -> ()
    "tpu.region"() ({
      %run_scoped3A = tpu.sem_alloc : memref<!tpu.dma_semaphore, #tpu.memory_space<semaphore_mem>>
      tpu.enqueue_dma source(%arg3 : memref<8x32xf32, #tpu.memory_space<hbm>>) target(%arg6 : memref<8x32xf32, #tpu.memory_space<vmem>>) target_semaphore(%run_scoped3A : memref<!tpu.dma_semaphore, #tpu.memory_space<semaphore_mem>>)
      tpu.wait_dma2 semaphore(%run_scoped3A : memref<!tpu.dma_semaphore, #tpu.memory_space<semaphore_mem>>) src(%arg3 : memref<8x32xf32, #tpu.memory_space<hbm>>) dst(%arg6 : memref<8x32xf32, #tpu.memory_space<vmem>>)
      tpu.yield
    }) : () -> ()
    %broadcast_in_dim3A = arith.constant 1.000000e+00 : f32
    %broadcast_in_dim3A_3 = vector.broadcast %broadcast_in_dim3A : f32 to vector<16xf32>
    %broadcast_in_dim3A_4 = arith.constant 0 : i32
    %broadcast_in_dim3A_5 = vector.broadcast %broadcast_in_dim3A_4 : i32 to vector<16xi32>
    %broadcast_in_dim3A_6 = arith.constant 7 : i32
    %broadcast_in_dim3A_7 = vector.broadcast %broadcast_in_dim3A_6 : i32 to vector<16xi32>
    %get3A = arith.constant 0 : i32
    %get3A_8 = arith.index_cast %get3A : i32 to index
    %get3A_9 = arith.constant 0 : index
    %get3A_10 = tpu.vector_load %arg6[%get3A_8, %get3A_9] {strides = array<i32>} : memref<8x32xf32, #tpu.memory_space<vmem>>, vector<16xf32>,
    %neg3A = arith.constant 0.000000e+00 : f32
    %neg3A_11 = vector.broadcast %neg3A : f32 to vector<16xf32>
    %neg3A_12 = arith.subf %neg3A_11, %get3A_10 : vector<16xf32>
    %exp3A = math.exp %neg3A_12 : vector<16xf32>
    %add3A_13 = arith.addf %broadcast_in_dim3A_3, %exp3A : vector<16xf32>
    %div3A = arith.divf %broadcast_in_dim3A_3, %add3A_13 : vector<16xf32>
    %swap3A = arith.constant 0 : i32
    %swap3A_14 = arith.index_cast %swap3A : i32 to index
    %swap3A_15 = arith.constant 0 : index
    %swap3A_16 = tpu.vector_load %arg6[%swap3A_14, %swap3A_15] {strides = array<i32>} : memref<8x32xf32, #tpu.memory_space<vmem>>, vector<16xf32>,
    tpu.vector_store %arg6[%swap3A_14, %swap3A_15], %div3A {strides = array<i32>} : memref<8x32xf32, #tpu.memory_space<vmem>>, vector<16xf32>,
    %get3A_17 = arith.constant 0 : i32
    %get3A_18 = arith.index_cast %get3A_17 : i32 to index
    %get3A_19 = arith.constant 16 : index
    %get3A_20 = tpu.vector_load %arg6[%get3A_18, %get3A_19] {strides = array<i32>} : memref<8x32xf32, #tpu.memory_space<vmem>>, vector<16xf32>,
    %neg3A_21 = arith.constant 0.000000e+00 : f32
    %neg3A_22 = vector.broadcast %neg3A_21 : f32 to vector<16xf32>
    %neg3A_23 = arith.subf %neg3A_22, %get3A_20 : vector<16xf32>
    %exp3A_24 = math.exp %neg3A_23 : vector<16xf32>
    %add3A_25 = arith.addf %broadcast_in_dim3A_3, %exp3A_24 : vector<16xf32>
    %div3A_26 = arith.divf %broadcast_in_dim3A_3, %add3A_25 : vector<16xf32>
    %swap3A_27 = arith.constant 0 : i32
    %swap3A_28 = arith.index_cast %swap3A_27 : i32 to index
    %swap3A_29 = arith.constant 16 : index
    %swap3A_30 = tpu.vector_load %arg6[%swap3A_28, %swap3A_29] {strides = array<i32>} : memref<8x32xf32, #tpu.memory_space<vmem>>, vector<16xf32>,
    tpu.vector_store %arg6[%swap3A_28, %swap3A_29], %div3A_26 {strides = array<i32>} : memref<8x32xf32, #tpu.memory_space<vmem>>, vector<16xf32>,
    %get3A_31 = arith.constant 1 : i32
    %get3A_32 = arith.index_cast %get3A_31 : i32 to index
    %get3A_33 = arith.constant 0 : index
    %get3A_34 = tpu.vector_load %arg6[%get3A_32, %get3A_33] {strides = array<i32>} : memref<8x32xf32, #tpu.memory_space<vmem>>, vector<16xf32>,
    %neg3A_35 = arith.constant 0.000000e+00 : f32
    %neg3A_36 = vector.broadcast %neg3A_35 : f32 to vector<16xf32>
    %neg3A_37 = arith.subf %neg3A_36, %get3A_34 : vector<16xf32>
    %exp3A_38 = math.exp %neg3A_37 : vector<16xf32>
    %add3A_39 = arith.addf %broadcast_in_dim3A_3, %exp3A_38 : vector<16xf32>
    %div3A_40 = arith.divf %broadcast_in_dim3A_3, %add3A_39 : vector<16xf32>
    %swap3A_41 = arith.constant 1 : i32
    %swap3A_42 = arith.index_cast %swap3A_41 : i32 to index
    %swap3A_43 = arith.constant 0 : index
    %swap3A_44 = tpu.vector_load %arg6[%swap3A_42, %swap3A_43] {strides = array<i32>} : memref<8x32xf32, #tpu.memory_space<vmem>>, vector<16xf32>,
    tpu.vector_store %arg6[%swap3A_42, %swap3A_43], %div3A_40 {strides = array<i32>} : memref<8x32xf32, #tpu.memory_space<vmem>>, vector<16xf32>,
    %get3A_45 = arith.constant 1 : i32
    %get3A_46 = arith.index_cast %get3A_45 : i32 to index
    %get3A_47 = arith.constant 16 : index
    %get3A_48 = tpu.vector_load %arg6[%get3A_46, %get3A_47] {strides = array<i32>} : memref<8x32xf32, #tpu.memory_space<vmem>>, vector<16xf32>,
    %neg3A_49 = arith.constant 0.000000e+00 : f32
    %neg3A_50 = vector.broadcast %neg3A_49 : f32 to vector<16xf32>
    %neg3A_51 = arith.subf %neg3A_50, %get3A_48 : vector<16xf32>
    %exp3A_52 = math.exp %neg3A_51 : vector<16xf32>
    %add3A_53 = arith.addf %broadcast_in_dim3A_3, %exp3A_52 : vector<16xf32>
    %div3A_54 = arith.divf %broadcast_in_dim3A_3, %add3A_53 : vector<16xf32>
    %swap3A_55 = arith.constant 1 : i32
    %swap3A_56 = arith.index_cast %swap3A_55 : i32 to index
    %swap3A_57 = arith.constant 16 : index
    %swap3A_58 = tpu.vector_load %arg6[%swap3A_56, %swap3A_57] {strides = array<i32>} : memref<8x32xf32, #tpu.memory_space<vmem>>, vector<16xf32>,
    tpu.vector_store %arg6[%swap3A_56, %swap3A_57], %div3A_54 {strides = array<i32>} : memref<8x32xf32, #tpu.memory_space<vmem>>, vector<16xf32>,
    %get3A_59 = arith.constant 2 : i32
    %get3A_60 = arith.index_cast %get3A_59 : i32 to index
    %get3A_61 = arith.constant 0 : index
    %get3A_62 = tpu.vector_load %arg6[%get3A_60, %get3A_61] {strides = array<i32>} : memref<8x32xf32, #tpu.memory_space<vmem>>, vector<16xf32>,
    %neg3A_63 = arith.constant 0.000000e+00 : f32
    %neg3A_64 = vector.broadcast %neg3A_63 : f32 to vector<16xf32>
    %neg3A_65 = arith.subf %neg3A_64, %get3A_62 : vector<16xf32>
    %exp3A_66 = math.exp %neg3A_65 : vector<16xf32>
    %add3A_67 = arith.addf %broadcast_in_dim3A_3, %exp3A_66 : vector<16xf32>
    %div3A_68 = arith.divf %broadcast_in_dim3A_3, %add3A_67 : vector<16xf32>
    %swap3A_69 = arith.constant 2 : i32
    %swap3A_70 = arith.index_cast %swap3A_69 : i32 to index
    %swap3A_71 = arith.constant 0 : index
    %swap3A_72 = tpu.vector_load %arg6[%swap3A_70, %swap3A_71] {strides = array<i32>} : memref<8x32xf32, #tpu.memory_space<vmem>>, vector<16xf32>,
    tpu.vector_store %arg6[%swap3A_70, %swap3A_71], %div3A_68 {strides = array<i32>} : memref<8x32xf32, #tpu.memory_space<vmem>>, vector<16xf32>,
    %get3A_73 = arith.constant 2 : i32
    %get3A_74 = arith.index_cast %get3A_73 : i32 to index
    %get3A_75 = arith.constant 16 : index
    %get3A_76 = tpu.vector_load %arg6[%get3A_74, %get3A_75] {strides = array<i32>} : memref<8x32xf32, #tpu.memory_space<vmem>>, vector<16xf32>,
    %neg3A_77 = arith.constant 0.000000e+00 : f32
    %neg3A_78 = vector.broadcast %neg3A_77 : f32 to vector<16xf32>
    %neg3A_79 = arith.subf %neg3A_78, %get3A_76 : vector<16xf32>
    %exp3A_80 = math.exp %neg3A_79 : vector<16xf32>
    %add3A_81 = arith.addf %broadcast_in_dim3A_3, %exp3A_80 : vector<16xf32>
    %div3A_82 = arith.divf %broadcast_in_dim3A_3, %add3A_81 : vector<16xf32>
    %swap3A_83 = arith.constant 2 : i32
    %swap3A_84 = arith.index_cast %swap3A_83 : i32 to index
    %swap3A_85 = arith.constant 16 : index
    %swap3A_86 = tpu.vector_load %arg6[%swap3A_84, %swap3A_85] {strides = array<i32>} : memref<8x32xf32, #tpu.memory_space<vmem>>, vector<16xf32>,
    tpu.vector_store %arg6[%swap3A_84, %swap3A_85], %div3A_82 {strides = array<i32>} : memref<8x32xf32, #tpu.memory_space<vmem>>, vector<16xf32>,
    %get3A_87 = arith.constant 3 : i32
    %get3A_88 = arith.index_cast %get3A_87 : i32 to index
    %get3A_89 = arith.constant 0 : index
    %get3A_90 = tpu.vector_load %arg6[%get3A_88, %get3A_89] {strides = array<i32>} : memref<8x32xf32, #tpu.memory_space<vmem>>, vector<16xf32>,
    %neg3A_91 = arith.constant 0.000000e+00 : f32
    %neg3A_92 = vector.broadcast %neg3A_91 : f32 to vector<16xf32>
    %neg3A_93 = arith.subf %neg3A_92, %get3A_90 : vector<16xf32>
    %exp3A_94 = math.exp %neg3A_93 : vector<16xf32>
    %add3A_95 = arith.addf %broadcast_in_dim3A_3, %exp3A_94 : vector<16xf32>
    %div3A_96 = arith.divf %broadcast_in_dim3A_3, %add3A_95 : vector<16xf32>
    %swap3A_97 = arith.constant 3 : i32
    %swap3A_98 = arith.index_cast %swap3A_97 : i32 to index
    %swap3A_99 = arith.constant 0 : index
    %swap3A_100 = tpu.vector_load %arg6[%swap3A_98, %swap3A_99] {strides = array<i32>} : memref<8x32xf32, #tpu.memory_space<vmem>>, vector<16xf32>,
    tpu.vector_store %arg6[%swap3A_98, %swap3A_99], %div3A_96 {strides = array<i32>} : memref<8x32xf32, #tpu.memory_space<vmem>>, vector<16xf32>,
    %get3A_101 = arith.constant 3 : i32
    %get3A_102 = arith.index_cast %get3A_101 : i32 to index
    %get3A_103 = arith.constant 16 : index
    %get3A_104 = tpu.vector_load %arg6[%get3A_102, %get3A_103] {strides = array<i32>} : memref<8x32xf32, #tpu.memory_space<vmem>>, vector<16xf32>,
    %neg3A_105 = arith.constant 0.000000e+00 : f32
    %neg3A_106 = vector.broadcast %neg3A_105 : f32 to vector<16xf32>
    %neg3A_107 = arith.subf %neg3A_106, %get3A_104 : vector<16xf32>
    %exp3A_108 = math.exp %neg3A_107 : vector<16xf32>
    %add3A_109 = arith.addf %broadcast_in_dim3A_3, %exp3A_108 : vector<16xf32>
    %div3A_110 = arith.divf %broadcast_in_dim3A_3, %add3A_109 : vector<16xf32>
    %swap3A_111 = arith.constant 3 : i32
    %swap3A_112 = arith.index_cast %swap3A_111 : i32 to index
    %swap3A_113 = arith.constant 16 : index
    %swap3A_114 = tpu.vector_load %arg6[%swap3A_112, %swap3A_113] {strides = array<i32>} : memref<8x32xf32, #tpu.memory_space<vmem>>, vector<16xf32>,
    tpu.vector_store %arg6[%swap3A_112, %swap3A_113], %div3A_110 {strides = array<i32>} : memref<8x32xf32, #tpu.memory_space<vmem>>, vector<16xf32>,
    %get3A_115 = arith.constant 4 : i32
    %get3A_116 = arith.index_cast %get3A_115 : i32 to index
    %get3A_117 = arith.constant 0 : index
    %get3A_118 = tpu.vector_load %arg6[%get3A_116, %get3A_117] {strides = array<i32>} : memref<8x32xf32, #tpu.memory_space<vmem>>, vector<16xf32>,
    %neg3A_119 = arith.constant 0.000000e+00 : f32
    %neg3A_120 = vector.broadcast %neg3A_119 : f32 to vector<16xf32>
    %neg3A_121 = arith.subf %neg3A_120, %get3A_118 : vector<16xf32>
    %exp3A_122 = math.exp %neg3A_121 : vector<16xf32>
    %add3A_123 = arith.addf %broadcast_in_dim3A_3, %exp3A_122 : vector<16xf32>
    %div3A_124 = arith.divf %broadcast_in_dim3A_3, %add3A_123 : vector<16xf32>
    %swap3A_125 = arith.constant 4 : i32
    %swap3A_126 = arith.index_cast %swap3A_125 : i32 to index
    %swap3A_127 = arith.constant 0 : index
    %swap3A_128 = tpu.vector_load %arg6[%swap3A_126, %swap3A_127] {strides = array<i32>} : memref<8x32xf32, #tpu.memory_space<vmem>>, vector<16xf32>,
    tpu.vector_store %arg6[%swap3A_126, %swap3A_127], %div3A_124 {strides = array<i32>} : memref<8x32xf32, #tpu.memory_space<vmem>>, vector<16xf32>,
    %get3A_129 = arith.constant 4 : i32
    %get3A_130 = arith.index_cast %get3A_129 : i32 to index
    %get3A_131 = arith.constant 16 : index
    %get3A_132 = tpu.vector_load %arg6[%get3A_130, %get3A_131] {strides = array<i32>} : memref<8x32xf32, #tpu.memory_space<vmem>>, vector<16xf32>,
    %neg3A_133 = arith.constant 0.000000e+00 : f32
    %neg3A_134 = vector.broadcast %neg3A_133 : f32 to vector<16xf32>
    %neg3A_135 = arith.subf %neg3A_134, %get3A_132 : vector<16xf32>
    %exp3A_136 = math.exp %neg3A_135 : vector<16xf32>
    %add3A_137 = arith.addf %broadcast_in_dim3A_3, %exp3A_136 : vector<16xf32>
    %div3A_138 = arith.divf %broadcast_in_dim3A_3, %add3A_137 : vector<16xf32>
    %swap3A_139 = arith.constant 4 : i32
    %swap3A_140 = arith.index_cast %swap3A_139 : i32 to index
    %swap3A_141 = arith.constant 16 : index
    %swap3A_142 = tpu.vector_load %arg6[%swap3A_140, %swap3A_141] {strides = array<i32>} : memref<8x32xf32, #tpu.memory_space<vmem>>, vector<16xf32>,
    tpu.vector_store %arg6[%swap3A_140, %swap3A_141], %div3A_138 {strides = array<i32>} : memref<8x32xf32, #tpu.memory_space<vmem>>, vector<16xf32>,
    %get3A_143 = arith.constant 5 : i32
    %get3A_144 = arith.index_cast %get3A_143 : i32 to index
    %get3A_145 = arith.constant 0 : index
    %get3A_146 = tpu.vector_load %arg6[%get3A_144, %get3A_145] {strides = array<i32>} : memref<8x32xf32, #tpu.memory_space<vmem>>, vector<16xf32>,
    %neg3A_147 = arith.constant 0.000000e+00 : f32
    %neg3A_148 = vector.broadcast %neg3A_147 : f32 to vector<16xf32>
    %neg3A_149 = arith.subf %neg3A_148, %get3A_146 : vector<16xf32>
    %exp3A_150 = math.exp %neg3A_149 : vector<16xf32>
    %add3A_151 = arith.addf %broadcast_in_dim3A_3, %exp3A_150 : vector<16xf32>
    %div3A_152 = arith.divf %broadcast_in_dim3A_3, %add3A_151 : vector<16xf32>
    %swap3A_153 = arith.constant 5 : i32
    %swap3A_154 = arith.index_cast %swap3A_153 : i32 to index
    %swap3A_155 = arith.constant 0 : index
    %swap3A_156 = tpu.vector_load %arg6[%swap3A_154, %swap3A_155] {strides = array<i32>} : memref<8x32xf32, #tpu.memory_space<vmem>>, vector<16xf32>,
    tpu.vector_store %arg6[%swap3A_154, %swap3A_155], %div3A_152 {strides = array<i32>} : memref<8x32xf32, #tpu.memory_space<vmem>>, vector<16xf32>,
    %get3A_157 = arith.constant 5 : i32
    %get3A_158 = arith.index_cast %get3A_157 : i32 to index
    %get3A_159 = arith.constant 16 : index
    %get3A_160 = tpu.vector_load %arg6[%get3A_158, %get3A_159] {strides = array<i32>} : memref<8x32xf32, #tpu.memory_space<vmem>>, vector<16xf32>,
    %neg3A_161 = arith.constant 0.000000e+00 : f32
    %neg3A_162 = vector.broadcast %neg3A_161 : f32 to vector<16xf32>
    %neg3A_163 = arith.subf %neg3A_162, %get3A_160 : vector<16xf32>
    %exp3A_164 = math.exp %neg3A_163 : vector<16xf32>
    %add3A_165 = arith.addf %broadcast_in_dim3A_3, %exp3A_164 : vector<16xf32>
    %div3A_166 = arith.divf %broadcast_in_dim3A_3, %add3A_165 : vector<16xf32>
    %swap3A_167 = arith.constant 5 : i32
    %swap3A_168 = arith.index_cast %swap3A_167 : i32 to index
    %swap3A_169 = arith.constant 16 : index
    %swap3A_170 = tpu.vector_load %arg6[%swap3A_168, %swap3A_169] {strides = array<i32>} : memref<8x32xf32, #tpu.memory_space<vmem>>, vector<16xf32>,
    tpu.vector_store %arg6[%swap3A_168, %swap3A_169], %div3A_166 {strides = array<i32>} : memref<8x32xf32, #tpu.memory_space<vmem>>, vector<16xf32>,
    %get3A_171 = arith.constant 6 : i32
    %get3A_172 = arith.index_cast %get3A_171 : i32 to index
    %get3A_173 = arith.constant 0 : index
    %get3A_174 = tpu.vector_load %arg6[%get3A_172, %get3A_173] {strides = array<i32>} : memref<8x32xf32, #tpu.memory_space<vmem>>, vector<16xf32>,
    %neg3A_175 = arith.constant 0.000000e+00 : f32
    %neg3A_176 = vector.broadcast %neg3A_175 : f32 to vector<16xf32>
    %neg3A_177 = arith.subf %neg3A_176, %get3A_174 : vector<16xf32>
    %exp3A_178 = math.exp %neg3A_177 : vector<16xf32>
    %add3A_179 = arith.addf %broadcast_in_dim3A_3, %exp3A_178 : vector<16xf32>
    %div3A_180 = arith.divf %broadcast_in_dim3A_3, %add3A_179 : vector<16xf32>
    %swap3A_181 = arith.constant 6 : i32
    %swap3A_182 = arith.index_cast %swap3A_181 : i32 to index
    %swap3A_183 = arith.constant 0 : index
    %swap3A_184 = tpu.vector_load %arg6[%swap3A_182, %swap3A_183] {strides = array<i32>} : memref<8x32xf32, #tpu.memory_space<vmem>>, vector<16xf32>,
    tpu.vector_store %arg6[%swap3A_182, %swap3A_183], %div3A_180 {strides = array<i32>} : memref<8x32xf32, #tpu.memory_space<vmem>>, vector<16xf32>,
    %get3A_185 = arith.constant 6 : i32
    %get3A_186 = arith.index_cast %get3A_185 : i32 to index
    %get3A_187 = arith.constant 16 : index
    %get3A_188 = tpu.vector_load %arg6[%get3A_186, %get3A_187] {strides = array<i32>} : memref<8x32xf32, #tpu.memory_space<vmem>>, vector<16xf32>,
    %neg3A_189 = arith.constant 0.000000e+00 : f32
    %neg3A_190 = vector.broadcast %neg3A_189 : f32 to vector<16xf32>
    %neg3A_191 = arith.subf %neg3A_190, %get3A_188 : vector<16xf32>
    %exp3A_192 = math.exp %neg3A_191 : vector<16xf32>
    %add3A_193 = arith.addf %broadcast_in_dim3A_3, %exp3A_192 : vector<16xf32>
    %div3A_194 = arith.divf %broadcast_in_dim3A_3, %add3A_193 : vector<16xf32>
    %swap3A_195 = arith.constant 6 : i32
    %swap3A_196 = arith.index_cast %swap3A_195 : i32 to index
    %swap3A_197 = arith.constant 16 : index
    %swap3A_198 = tpu.vector_load %arg6[%swap3A_196, %swap3A_197] {strides = array<i32>} : memref<8x32xf32, #tpu.memory_space<vmem>>, vector<16xf32>,
    tpu.vector_store %arg6[%swap3A_196, %swap3A_197], %div3A_194 {strides = array<i32>} : memref<8x32xf32, #tpu.memory_space<vmem>>, vector<16xf32>,
    %get3A_199 = arith.constant 7 : i32
    %get3A_200 = arith.index_cast %get3A_199 : i32 to index
    %get3A_201 = arith.constant 0 : index
    %get3A_202 = tpu.vector_load %arg6[%get3A_200, %get3A_201] {strides = array<i32>} : memref<8x32xf32, #tpu.memory_space<vmem>>, vector<16xf32>,
    %neg3A_203 = arith.constant 0.000000e+00 : f32
    %neg3A_204 = vector.broadcast %neg3A_203 : f32 to vector<16xf32>
    %neg3A_205 = arith.subf %neg3A_204, %get3A_202 : vector<16xf32>
    %exp3A_206 = math.exp %neg3A_205 : vector<16xf32>
    %add3A_207 = arith.addf %broadcast_in_dim3A_3, %exp3A_206 : vector<16xf32>
    %div3A_208 = arith.divf %broadcast_in_dim3A_3, %add3A_207 : vector<16xf32>
    %swap3A_209 = arith.constant 7 : i32
    %swap3A_210 = arith.index_cast %swap3A_209 : i32 to index
    %swap3A_211 = arith.constant 0 : index
    %swap3A_212 = tpu.vector_load %arg6[%swap3A_210, %swap3A_211] {strides = array<i32>} : memref<8x32xf32, #tpu.memory_space<vmem>>, vector<16xf32>,
    tpu.vector_store %arg6[%swap3A_210, %swap3A_211], %div3A_208 {strides = array<i32>} : memref<8x32xf32, #tpu.memory_space<vmem>>, vector<16xf32>,
    %get3A_213 = arith.constant 7 : i32
    %get3A_214 = arith.index_cast %get3A_213 : i32 to index
    %get3A_215 = arith.constant 16 : index
    %get3A_216 = tpu.vector_load %arg6[%get3A_214, %get3A_215] {strides = array<i32>} : memref<8x32xf32, #tpu.memory_space<vmem>>, vector<16xf32>,
    %neg3A_217 = arith.constant 0.000000e+00 : f32
    %neg3A_218 = vector.broadcast %neg3A_217 : f32 to vector<16xf32>
    %neg3A_219 = arith.subf %neg3A_218, %get3A_216 : vector<16xf32>
    %exp3A_220 = math.exp %neg3A_219 : vector<16xf32>
    %add3A_221 = arith.addf %broadcast_in_dim3A_3, %exp3A_220 : vector<16xf32>
    %div3A_222 = arith.divf %broadcast_in_dim3A_3, %add3A_221 : vector<16xf32>
    %swap3A_223 = arith.constant 7 : i32
    %swap3A_224 = arith.index_cast %swap3A_223 : i32 to index
    %swap3A_225 = arith.constant 16 : index
    %swap3A_226 = tpu.vector_load %arg6[%swap3A_224, %swap3A_225] {strides = array<i32>} : memref<8x32xf32, #tpu.memory_space<vmem>>, vector<16xf32>,
    tpu.vector_store %arg6[%swap3A_224, %swap3A_225], %div3A_222 {strides = array<i32>} : memref<8x32xf32, #tpu.memory_space<vmem>>, vector<16xf32>,
    %broadcast_in_dim3A_227 = arith.constant 0 : i32
    %broadcast_in_dim3A_228 = vector.broadcast %broadcast_in_dim3A_227 : i32 to vector<16xi32>
    %broadcast_in_dim3A_229 = arith.constant 1 : i32
    %broadcast_in_dim3A_230 = vector.broadcast %broadcast_in_dim3A_229 : i32 to vector<16xi32>
    %broadcast_in_dim3A_231 = arith.constant 2 : i32
    %broadcast_in_dim3A_232 = vector.broadcast %broadcast_in_dim3A_231 : i32 to vector<16xi32>
    %broadcast_in_dim3A_233 = arith.constant 3 : i32
    %broadcast_in_dim3A_234 = vector.broadcast %broadcast_in_dim3A_233 : i32 to vector<16xi32>
    %broadcast_in_dim3A_235 = arith.constant 4 : i32
    %broadcast_in_dim3A_236 = vector.broadcast %broadcast_in_dim3A_235 : i32 to vector<16xi32>
    %broadcast_in_dim3A_237 = arith.constant 5 : i32
    %broadcast_in_dim3A_238 = vector.broadcast %broadcast_in_dim3A_237 : i32 to vector<16xi32>
    %broadcast_in_dim3A_239 = arith.constant 6 : i32
    %broadcast_in_dim3A_240 = vector.broadcast %broadcast_in_dim3A_239 : i32 to vector<16xi32>
    %broadcast_in_dim3A_241 = arith.constant 7 : i32
    %broadcast_in_dim3A_242 = vector.broadcast %broadcast_in_dim3A_241 : i32 to vector<16xi32>
    %broadcast_in_dim3A_243 = arith.constant 8 : i32
    %broadcast_in_dim3A_244 = vector.broadcast %broadcast_in_dim3A_243 : i32 to vector<16xi32>
    %broadcast_in_dim3A_245 = arith.constant 9 : i32
    %broadcast_in_dim3A_246 = vector.broadcast %broadcast_in_dim3A_245 : i32 to vector<16xi32>
    %broadcast_in_dim3A_247 = arith.constant 10 : i32
    %broadcast_in_dim3A_248 = vector.broadcast %broadcast_in_dim3A_247 : i32 to vector<16xi32>
    %broadcast_in_dim3A_249 = arith.constant 11 : i32
    %broadcast_in_dim3A_250 = vector.broadcast %broadcast_in_dim3A_249 : i32 to vector<16xi32>
    %broadcast_in_dim3A_251 = arith.constant 12 : i32
    %broadcast_in_dim3A_252 = vector.broadcast %broadcast_in_dim3A_251 : i32 to vector<16xi32>
    %broadcast_in_dim3A_253 = arith.constant 13 : i32
    %broadcast_in_dim3A_254 = vector.broadcast %broadcast_in_dim3A_253 : i32 to vector<16xi32>
    %broadcast_in_dim3A_255 = arith.constant 14 : i32
    %broadcast_in_dim3A_256 = vector.broadcast %broadcast_in_dim3A_255 : i32 to vector<16xi32>
    %broadcast_in_dim3A_257 = arith.constant 15 : i32
    %broadcast_in_dim3A_258 = vector.broadcast %broadcast_in_dim3A_257 : i32 to vector<16xi32>
    %broadcast_in_dim3A_259 = arith.constant 16 : i32
    %broadcast_in_dim3A_260 = vector.broadcast %broadcast_in_dim3A_259 : i32 to vector<16xi32>
    %broadcast_in_dim3A_261 = arith.constant 17 : i32
    %broadcast_in_dim3A_262 = vector.broadcast %broadcast_in_dim3A_261 : i32 to vector<16xi32>
    %broadcast_in_dim3A_263 = arith.constant 18 : i32
    %broadcast_in_dim3A_264 = vector.broadcast %broadcast_in_dim3A_263 : i32 to vector<16xi32>
    %broadcast_in_dim3A_265 = arith.constant 19 : i32
    %broadcast_in_dim3A_266 = vector.broadcast %broadcast_in_dim3A_265 : i32 to vector<16xi32>
    %broadcast_in_dim3A_267 = arith.constant 20 : i32
    %broadcast_in_dim3A_268 = vector.broadcast %broadcast_in_dim3A_267 : i32 to vector<16xi32>
    %broadcast_in_dim3A_269 = arith.constant 21 : i32
    %broadcast_in_dim3A_270 = vector.broadcast %broadcast_in_dim3A_269 : i32 to vector<16xi32>
    %broadcast_in_dim3A_271 = arith.constant 22 : i32
    %broadcast_in_dim3A_272 = vector.broadcast %broadcast_in_dim3A_271 : i32 to vector<16xi32>
    %broadcast_in_dim3A_273 = arith.constant 23 : i32
    %broadcast_in_dim3A_274 = vector.broadcast %broadcast_in_dim3A_273 : i32 to vector<16xi32>
    %broadcast_in_dim3A_275 = arith.constant 24 : i32
    %broadcast_in_dim3A_276 = vector.broadcast %broadcast_in_dim3A_275 : i32 to vector<16xi32>
    %broadcast_in_dim3A_277 = arith.constant 25 : i32
    %broadcast_in_dim3A_278 = vector.broadcast %broadcast_in_dim3A_277 : i32 to vector<16xi32>
    %broadcast_in_dim3A_279 = arith.constant 26 : i32
    %broadcast_in_dim3A_280 = vector.broadcast %broadcast_in_dim3A_279 : i32 to vector<16xi32>
    %broadcast_in_dim3A_281 = arith.constant 27 : i32
    %broadcast_in_dim3A_282 = vector.broadcast %broadcast_in_dim3A_281 : i32 to vector<16xi32>
    %broadcast_in_dim3A_283 = arith.constant 28 : i32
    %broadcast_in_dim3A_284 = vector.broadcast %broadcast_in_dim3A_283 : i32 to vector<16xi32>
    %broadcast_in_dim3A_285 = arith.constant 29 : i32
    %broadcast_in_dim3A_286 = vector.broadcast %broadcast_in_dim3A_285 : i32 to vector<16xi32>
    %broadcast_in_dim3A_287 = arith.constant 30 : i32
    %broadcast_in_dim3A_288 = vector.broadcast %broadcast_in_dim3A_287 : i32 to vector<16xi32>
    %broadcast_in_dim3A_289 = arith.constant 31 : i32
    %broadcast_in_dim3A_290 = vector.broadcast %broadcast_in_dim3A_289 : i32 to vector<16xi32>
    %parallel_loop3A = arith.constant 0 : i32
    %parallel_loop3A_291 = arith.constant 32 : i32
    %parallel_loop3A_292 = arith.constant 1 : i32
    scf.for %parallel_loop3A_293 = %parallel_loop3A to %parallel_loop3A_291 step %parallel_loop3A_292  : i32 {
      %parallel_loop3A_294 = arith.constant 16 : i32
      %parallel_loop3A_295 = arith.muli %parallel_loop3A_293, %parallel_loop3A_294 : i32
      %parallel_loop3A_296 = arith.constant 0 : i32
      %parallel_loop3A_297 = arith.index_cast %parallel_loop3A_296 : i32 to index
      %parallel_loop3A_298 = arith.index_cast %parallel_loop3A_295 : i32 to index
      %parallel_loop3A_299 = tpu.vector_load %arg5[%parallel_loop3A_297, %parallel_loop3A_298] {strides = array<i32>} : memref<32x512xi32, #tpu.memory_space<vmem>>, vector<16xi32>,
      %parallel_loop3A_300 = arith.constant 1 : i32
      %parallel_loop3A_301 = vector.broadcast %parallel_loop3A_300 : i32 to vector<16xi32>
      %parallel_loop3A_302 = arith.shrsi %parallel_loop3A_299, %parallel_loop3A_301 : vector<16xi32>
      %parallel_loop3A_303 = tpu.vector_load_idx %arg6[%parallel_loop3A_302, %broadcast_in_dim3A_228] : memref<8x32xf32, #tpu.memory_space<vmem>>[vector<16xi32>, vector<16xi32>], vector<16xf32>,
      %parallel_loop3A_304 = arith.constant 0 : i32
      %parallel_loop3A_305 = arith.index_cast %parallel_loop3A_304 : i32 to index
      %parallel_loop3A_306 = arith.index_cast %parallel_loop3A_295 : i32 to index
      %parallel_loop3A_307 = tpu.vector_load %arg7[%parallel_loop3A_305, %parallel_loop3A_306] {strides = array<i32>} : memref<32x512xf32, #tpu.memory_space<vmem>>, vector<16xf32>,
      tpu.vector_store %arg7[%parallel_loop3A_305, %parallel_loop3A_306], %parallel_loop3A_303 {strides = array<i32>} : memref<32x512xf32, #tpu.memory_space<vmem>>, vector<16xf32>,
      %parallel_loop3A_308 = arith.constant 0 : i32
      %parallel_loop3A_309 = arith.index_cast %parallel_loop3A_308 : i32 to index
      %parallel_loop3A_310 = arith.index_cast %parallel_loop3A_295 : i32 to index
      %parallel_loop3A_311 = tpu.vector_load %arg5[%parallel_loop3A_309, %parallel_loop3A_310] {strides = array<i32>} : memref<32x512xi32, #tpu.memory_space<vmem>>, vector<16xi32>,
      %parallel_loop3A_312 = arith.constant 1 : i32
      %parallel_loop3A_313 = vector.broadcast %parallel_loop3A_312 : i32 to vector<16xi32>
      %parallel_loop3A_314 = arith.shli %parallel_loop3A_302, %parallel_loop3A_313 : vector<16xi32>
      %parallel_loop3A_315 = arith.ori %parallel_loop3A_314, %parallel_loop3A_311 : vector<16xi32>
      %parallel_loop3A_316 = arith.andi %parallel_loop3A_315, %broadcast_in_dim3A_7 : vector<16xi32>
      %parallel_loop3A_317 = tpu.vector_load_idx %arg6[%parallel_loop3A_316, %broadcast_in_dim3A_230] : memref<8x32xf32, #tpu.memory_space<vmem>>[vector<16xi32>, vector<16xi32>], vector<16xf32>,
      %parallel_loop3A_318 = arith.constant 1 : i32
      %parallel_loop3A_319 = arith.index_cast %parallel_loop3A_318 : i32 to index
      %parallel_loop3A_320 = arith.index_cast %parallel_loop3A_295 : i32 to index
      %parallel_loop3A_321 = tpu.vector_load %arg7[%parallel_loop3A_319, %parallel_loop3A_320] {strides = array<i32>} : memref<32x512xf32, #tpu.memory_space<vmem>>, vector<16xf32>,
      tpu.vector_store %arg7[%parallel_loop3A_319, %parallel_loop3A_320], %parallel_loop3A_317 {strides = array<i32>} : memref<32x512xf32, #tpu.memory_space<vmem>>, vector<16xf32>,
      %parallel_loop3A_322 = arith.constant 1 : i32
      %parallel_loop3A_323 = arith.index_cast %parallel_loop3A_322 : i32 to index
      %parallel_loop3A_324 = arith.index_cast %parallel_loop3A_295 : i32 to index
      %parallel_loop3A_325 = tpu.vector_load %arg5[%parallel_loop3A_323, %parallel_loop3A_324] {strides = array<i32>} : memref<32x512xi32, #tpu.memory_space<vmem>>, vector<16xi32>,
      %parallel_loop3A_326 = arith.constant 1 : i32
      %parallel_loop3A_327 = vector.broadcast %parallel_loop3A_326 : i32 to vector<16xi32>
      %parallel_loop3A_328 = arith.shli %parallel_loop3A_316, %parallel_loop3A_327 : vector<16xi32>
      %parallel_loop3A_329 = arith.ori %parallel_loop3A_328, %parallel_loop3A_325 : vector<16xi32>
      %parallel_loop3A_330 = arith.andi %parallel_loop3A_329, %broadcast_in_dim3A_7 : vector<16xi32>
      %parallel_loop3A_331 = tpu.vector_load_idx %arg6[%parallel_loop3A_330, %broadcast_in_dim3A_232] : memref<8x32xf32, #tpu.memory_space<vmem>>[vector<16xi32>, vector<16xi32>], vector<16xf32>,
      %parallel_loop3A_332 = arith.constant 2 : i32
      %parallel_loop3A_333 = arith.index_cast %parallel_loop3A_332 : i32 to index
      %parallel_loop3A_334 = arith.index_cast %parallel_loop3A_295 : i32 to index
      %parallel_loop3A_335 = tpu.vector_load %arg7[%parallel_loop3A_333, %parallel_loop3A_334] {strides = array<i32>} : memref<32x512xf32, #tpu.memory_space<vmem>>, vector<16xf32>,
      tpu.vector_store %arg7[%parallel_loop3A_333, %parallel_loop3A_334], %parallel_loop3A_331 {strides = array<i32>} : memref<32x512xf32, #tpu.memory_space<vmem>>, vector<16xf32>,
      %parallel_loop3A_336 = arith.constant 2 : i32
      %parallel_loop3A_337 = arith.index_cast %parallel_loop3A_336 : i32 to index
      %parallel_loop3A_338 = arith.index_cast %parallel_loop3A_295 : i32 to index
      %parallel_loop3A_339 = tpu.vector_load %arg5[%parallel_loop3A_337, %parallel_loop3A_338] {strides = array<i32>} : memref<32x512xi32, #tpu.memory_space<vmem>>, vector<16xi32>,
      %parallel_loop3A_340 = arith.constant 1 : i32
      %parallel_loop3A_341 = vector.broadcast %parallel_loop3A_340 : i32 to vector<16xi32>
      %parallel_loop3A_342 = arith.shli %parallel_loop3A_330, %parallel_loop3A_341 : vector<16xi32>
      %parallel_loop3A_343 = arith.ori %parallel_loop3A_342, %parallel_loop3A_339 : vector<16xi32>
      %parallel_loop3A_344 = arith.andi %parallel_loop3A_343, %broadcast_in_dim3A_7 : vector<16xi32>
      %parallel_loop3A_345 = tpu.vector_load_idx %arg6[%parallel_loop3A_344, %broadcast_in_dim3A_234] : memref<8x32xf32, #tpu.memory_space<vmem>>[vector<16xi32>, vector<16xi32>], vector<16xf32>,
      %parallel_loop3A_346 = arith.constant 3 : i32
      %parallel_loop3A_347 = arith.index_cast %parallel_loop3A_346 : i32 to index
      %parallel_loop3A_348 = arith.index_cast %parallel_loop3A_295 : i32 to index
      %parallel_loop3A_349 = tpu.vector_load %arg7[%parallel_loop3A_347, %parallel_loop3A_348] {strides = array<i32>} : memref<32x512xf32, #tpu.memory_space<vmem>>, vector<16xf32>,
      tpu.vector_store %arg7[%parallel_loop3A_347, %parallel_loop3A_348], %parallel_loop3A_345 {strides = array<i32>} : memref<32x512xf32, #tpu.memory_space<vmem>>, vector<16xf32>,
      %parallel_loop3A_350 = arith.constant 3 : i32
      %parallel_loop3A_351 = arith.index_cast %parallel_loop3A_350 : i32 to index
      %parallel_loop3A_352 = arith.index_cast %parallel_loop3A_295 : i32 to index
      %parallel_loop3A_353 = tpu.vector_load %arg5[%parallel_loop3A_351, %parallel_loop3A_352] {strides = array<i32>} : memref<32x512xi32, #tpu.memory_space<vmem>>, vector<16xi32>,
      %parallel_loop3A_354 = arith.constant 1 : i32
      %parallel_loop3A_355 = vector.broadcast %parallel_loop3A_354 : i32 to vector<16xi32>
      %parallel_loop3A_356 = arith.shli %parallel_loop3A_344, %parallel_loop3A_355 : vector<16xi32>
      %parallel_loop3A_357 = arith.ori %parallel_loop3A_356, %parallel_loop3A_353 : vector<16xi32>
      %parallel_loop3A_358 = arith.andi %parallel_loop3A_357, %broadcast_in_dim3A_7 : vector<16xi32>
      %parallel_loop3A_359 = tpu.vector_load_idx %arg6[%parallel_loop3A_358, %broadcast_in_dim3A_236] : memref<8x32xf32, #tpu.memory_space<vmem>>[vector<16xi32>, vector<16xi32>], vector<16xf32>,
      %parallel_loop3A_360 = arith.constant 4 : i32
      %parallel_loop3A_361 = arith.index_cast %parallel_loop3A_360 : i32 to index
      %parallel_loop3A_362 = arith.index_cast %parallel_loop3A_295 : i32 to index
      %parallel_loop3A_363 = tpu.vector_load %arg7[%parallel_loop3A_361, %parallel_loop3A_362] {strides = array<i32>} : memref<32x512xf32, #tpu.memory_space<vmem>>, vector<16xf32>,
      tpu.vector_store %arg7[%parallel_loop3A_361, %parallel_loop3A_362], %parallel_loop3A_359 {strides = array<i32>} : memref<32x512xf32, #tpu.memory_space<vmem>>, vector<16xf32>,
      %parallel_loop3A_364 = arith.constant 4 : i32
      %parallel_loop3A_365 = arith.index_cast %parallel_loop3A_364 : i32 to index
      %parallel_loop3A_366 = arith.index_cast %parallel_loop3A_295 : i32 to index
      %parallel_loop3A_367 = tpu.vector_load %arg5[%parallel_loop3A_365, %parallel_loop3A_366] {strides = array<i32>} : memref<32x512xi32, #tpu.memory_space<vmem>>, vector<16xi32>,
      %parallel_loop3A_368 = arith.constant 1 : i32
      %parallel_loop3A_369 = vector.broadcast %parallel_loop3A_368 : i32 to vector<16xi32>
      %parallel_loop3A_370 = arith.shli %parallel_loop3A_358, %parallel_loop3A_369 : vector<16xi32>
      %parallel_loop3A_371 = arith.ori %parallel_loop3A_370, %parallel_loop3A_367 : vector<16xi32>
      %parallel_loop3A_372 = arith.andi %parallel_loop3A_371, %broadcast_in_dim3A_7 : vector<16xi32>
      %parallel_loop3A_373 = tpu.vector_load_idx %arg6[%parallel_loop3A_372, %broadcast_in_dim3A_238] : memref<8x32xf32, #tpu.memory_space<vmem>>[vector<16xi32>, vector<16xi32>], vector<16xf32>,
      %parallel_loop3A_374 = arith.constant 5 : i32
      %parallel_loop3A_375 = arith.index_cast %parallel_loop3A_374 : i32 to index
      %parallel_loop3A_376 = arith.index_cast %parallel_loop3A_295 : i32 to index
      %parallel_loop3A_377 = tpu.vector_load %arg7[%parallel_loop3A_375, %parallel_loop3A_376] {strides = array<i32>} : memref<32x512xf32, #tpu.memory_space<vmem>>, vector<16xf32>,
      tpu.vector_store %arg7[%parallel_loop3A_375, %parallel_loop3A_376], %parallel_loop3A_373 {strides = array<i32>} : memref<32x512xf32, #tpu.memory_space<vmem>>, vector<16xf32>,
      %parallel_loop3A_378 = arith.constant 5 : i32
      %parallel_loop3A_379 = arith.index_cast %parallel_loop3A_378 : i32 to index
      %parallel_loop3A_380 = arith.index_cast %parallel_loop3A_295 : i32 to index
      %parallel_loop3A_381 = tpu.vector_load %arg5[%parallel_loop3A_379, %parallel_loop3A_380] {strides = array<i32>} : memref<32x512xi32, #tpu.memory_space<vmem>>, vector<16xi32>,
      %parallel_loop3A_382 = arith.constant 1 : i32
      %parallel_loop3A_383 = vector.broadcast %parallel_loop3A_382 : i32 to vector<16xi32>
      %parallel_loop3A_384 = arith.shli %parallel_loop3A_372, %parallel_loop3A_383 : vector<16xi32>
      %parallel_loop3A_385 = arith.ori %parallel_loop3A_384, %parallel_loop3A_381 : vector<16xi32>
      %parallel_loop3A_386 = arith.andi %parallel_loop3A_385, %broadcast_in_dim3A_7 : vector<16xi32>
      %parallel_loop3A_387 = tpu.vector_load_idx %arg6[%parallel_loop3A_386, %broadcast_in_dim3A_240] : memref<8x32xf32, #tpu.memory_space<vmem>>[vector<16xi32>, vector<16xi32>], vector<16xf32>,
      %parallel_loop3A_388 = arith.constant 6 : i32
      %parallel_loop3A_389 = arith.index_cast %parallel_loop3A_388 : i32 to index
      %parallel_loop3A_390 = arith.index_cast %parallel_loop3A_295 : i32 to index
      %parallel_loop3A_391 = tpu.vector_load %arg7[%parallel_loop3A_389, %parallel_loop3A_390] {strides = array<i32>} : memref<32x512xf32, #tpu.memory_space<vmem>>, vector<16xf32>,
      tpu.vector_store %arg7[%parallel_loop3A_389, %parallel_loop3A_390], %parallel_loop3A_387 {strides = array<i32>} : memref<32x512xf32, #tpu.memory_space<vmem>>, vector<16xf32>,
      %parallel_loop3A_392 = arith.constant 6 : i32
      %parallel_loop3A_393 = arith.index_cast %parallel_loop3A_392 : i32 to index
      %parallel_loop3A_394 = arith.index_cast %parallel_loop3A_295 : i32 to index
      %parallel_loop3A_395 = tpu.vector_load %arg5[%parallel_loop3A_393, %parallel_loop3A_394] {strides = array<i32>} : memref<32x512xi32, #tpu.memory_space<vmem>>, vector<16xi32>,
      %parallel_loop3A_396 = arith.constant 1 : i32
      %parallel_loop3A_397 = vector.broadcast %parallel_loop3A_396 : i32 to vector<16xi32>
      %parallel_loop3A_398 = arith.shli %parallel_loop3A_386, %parallel_loop3A_397 : vector<16xi32>
      %parallel_loop3A_399 = arith.ori %parallel_loop3A_398, %parallel_loop3A_395 : vector<16xi32>
      %parallel_loop3A_400 = arith.andi %parallel_loop3A_399, %broadcast_in_dim3A_7 : vector<16xi32>
      %parallel_loop3A_401 = tpu.vector_load_idx %arg6[%parallel_loop3A_400, %broadcast_in_dim3A_242] : memref<8x32xf32, #tpu.memory_space<vmem>>[vector<16xi32>, vector<16xi32>], vector<16xf32>,
      %parallel_loop3A_402 = arith.constant 7 : i32
      %parallel_loop3A_403 = arith.index_cast %parallel_loop3A_402 : i32 to index
      %parallel_loop3A_404 = arith.index_cast %parallel_loop3A_295 : i32 to index
      %parallel_loop3A_405 = tpu.vector_load %arg7[%parallel_loop3A_403, %parallel_loop3A_404] {strides = array<i32>} : memref<32x512xf32, #tpu.memory_space<vmem>>, vector<16xf32>,
      tpu.vector_store %arg7[%parallel_loop3A_403, %parallel_loop3A_404], %parallel_loop3A_401 {strides = array<i32>} : memref<32x512xf32, #tpu.memory_space<vmem>>, vector<16xf32>,
      %parallel_loop3A_406 = arith.constant 7 : i32
      %parallel_loop3A_407 = arith.index_cast %parallel_loop3A_406 : i32 to index
      %parallel_loop3A_408 = arith.index_cast %parallel_loop3A_295 : i32 to index
      %parallel_loop3A_409 = tpu.vector_load %arg5[%parallel_loop3A_407, %parallel_loop3A_408] {strides = array<i32>} : memref<32x512xi32, #tpu.memory_space<vmem>>, vector<16xi32>,
      %parallel_loop3A_410 = arith.constant 1 : i32
      %parallel_loop3A_411 = vector.broadcast %parallel_loop3A_410 : i32 to vector<16xi32>
      %parallel_loop3A_412 = arith.shli %parallel_loop3A_400, %parallel_loop3A_411 : vector<16xi32>
      %parallel_loop3A_413 = arith.ori %parallel_loop3A_412, %parallel_loop3A_409 : vector<16xi32>
      %parallel_loop3A_414 = arith.andi %parallel_loop3A_413, %broadcast_in_dim3A_7 : vector<16xi32>
      %parallel_loop3A_415 = tpu.vector_load_idx %arg6[%parallel_loop3A_414, %broadcast_in_dim3A_244] : memref<8x32xf32, #tpu.memory_space<vmem>>[vector<16xi32>, vector<16xi32>], vector<16xf32>,
      %parallel_loop3A_416 = arith.constant 8 : i32
      %parallel_loop3A_417 = arith.index_cast %parallel_loop3A_416 : i32 to index
      %parallel_loop3A_418 = arith.index_cast %parallel_loop3A_295 : i32 to index
      %parallel_loop3A_419 = tpu.vector_load %arg7[%parallel_loop3A_417, %parallel_loop3A_418] {strides = array<i32>} : memref<32x512xf32, #tpu.memory_space<vmem>>, vector<16xf32>,
      tpu.vector_store %arg7[%parallel_loop3A_417, %parallel_loop3A_418], %parallel_loop3A_415 {strides = array<i32>} : memref<32x512xf32, #tpu.memory_space<vmem>>, vector<16xf32>,
      %parallel_loop3A_420 = arith.constant 8 : i32
      %parallel_loop3A_421 = arith.index_cast %parallel_loop3A_420 : i32 to index
      %parallel_loop3A_422 = arith.index_cast %parallel_loop3A_295 : i32 to index
      %parallel_loop3A_423 = tpu.vector_load %arg5[%parallel_loop3A_421, %parallel_loop3A_422] {strides = array<i32>} : memref<32x512xi32, #tpu.memory_space<vmem>>, vector<16xi32>,
      %parallel_loop3A_424 = arith.constant 1 : i32
      %parallel_loop3A_425 = vector.broadcast %parallel_loop3A_424 : i32 to vector<16xi32>
      %parallel_loop3A_426 = arith.shli %parallel_loop3A_414, %parallel_loop3A_425 : vector<16xi32>
      %parallel_loop3A_427 = arith.ori %parallel_loop3A_426, %parallel_loop3A_423 : vector<16xi32>
      %parallel_loop3A_428 = arith.andi %parallel_loop3A_427, %broadcast_in_dim3A_7 : vector<16xi32>
      %parallel_loop3A_429 = tpu.vector_load_idx %arg6[%parallel_loop3A_428, %broadcast_in_dim3A_246] : memref<8x32xf32, #tpu.memory_space<vmem>>[vector<16xi32>, vector<16xi32>], vector<16xf32>,
      %parallel_loop3A_430 = arith.constant 9 : i32
      %parallel_loop3A_431 = arith.index_cast %parallel_loop3A_430 : i32 to index
      %parallel_loop3A_432 = arith.index_cast %parallel_loop3A_295 : i32 to index
      %parallel_loop3A_433 = tpu.vector_load %arg7[%parallel_loop3A_431, %parallel_loop3A_432] {strides = array<i32>} : memref<32x512xf32, #tpu.memory_space<vmem>>, vector<16xf32>,
      tpu.vector_store %arg7[%parallel_loop3A_431, %parallel_loop3A_432], %parallel_loop3A_429 {strides = array<i32>} : memref<32x512xf32, #tpu.memory_space<vmem>>, vector<16xf32>,
      %parallel_loop3A_434 = arith.constant 9 : i32
      %parallel_loop3A_435 = arith.index_cast %parallel_loop3A_434 : i32 to index
      %parallel_loop3A_436 = arith.index_cast %parallel_loop3A_295 : i32 to index
      %parallel_loop3A_437 = tpu.vector_load %arg5[%parallel_loop3A_435, %parallel_loop3A_436] {strides = array<i32>} : memref<32x512xi32, #tpu.memory_space<vmem>>, vector<16xi32>,
      %parallel_loop3A_438 = arith.constant 1 : i32
      %parallel_loop3A_439 = vector.broadcast %parallel_loop3A_438 : i32 to vector<16xi32>
      %parallel_loop3A_440 = arith.shli %parallel_loop3A_428, %parallel_loop3A_439 : vector<16xi32>
      %parallel_loop3A_441 = arith.ori %parallel_loop3A_440, %parallel_loop3A_437 : vector<16xi32>
      %parallel_loop3A_442 = arith.andi %parallel_loop3A_441, %broadcast_in_dim3A_7 : vector<16xi32>
      %parallel_loop3A_443 = tpu.vector_load_idx %arg6[%parallel_loop3A_442, %broadcast_in_dim3A_248] : memref<8x32xf32, #tpu.memory_space<vmem>>[vector<16xi32>, vector<16xi32>], vector<16xf32>,
      %parallel_loop3A_444 = arith.constant 10 : i32
      %parallel_loop3A_445 = arith.index_cast %parallel_loop3A_444 : i32 to index
      %parallel_loop3A_446 = arith.index_cast %parallel_loop3A_295 : i32 to index
      %parallel_loop3A_447 = tpu.vector_load %arg7[%parallel_loop3A_445, %parallel_loop3A_446] {strides = array<i32>} : memref<32x512xf32, #tpu.memory_space<vmem>>, vector<16xf32>,
      tpu.vector_store %arg7[%parallel_loop3A_445, %parallel_loop3A_446], %parallel_loop3A_443 {strides = array<i32>} : memref<32x512xf32, #tpu.memory_space<vmem>>, vector<16xf32>,
      %parallel_loop3A_448 = arith.constant 10 : i32
      %parallel_loop3A_449 = arith.index_cast %parallel_loop3A_448 : i32 to index
      %parallel_loop3A_450 = arith.index_cast %parallel_loop3A_295 : i32 to index
      %parallel_loop3A_451 = tpu.vector_load %arg5[%parallel_loop3A_449, %parallel_loop3A_450] {strides = array<i32>} : memref<32x512xi32, #tpu.memory_space<vmem>>, vector<16xi32>,
      %parallel_loop3A_452 = arith.constant 1 : i32
      %parallel_loop3A_453 = vector.broadcast %parallel_loop3A_452 : i32 to vector<16xi32>
      %parallel_loop3A_454 = arith.shli %parallel_loop3A_442, %parallel_loop3A_453 : vector<16xi32>
      %parallel_loop3A_455 = arith.ori %parallel_loop3A_454, %parallel_loop3A_451 : vector<16xi32>
      %parallel_loop3A_456 = arith.andi %parallel_loop3A_455, %broadcast_in_dim3A_7 : vector<16xi32>
      %parallel_loop3A_457 = tpu.vector_load_idx %arg6[%parallel_loop3A_456, %broadcast_in_dim3A_250] : memref<8x32xf32, #tpu.memory_space<vmem>>[vector<16xi32>, vector<16xi32>], vector<16xf32>,
      %parallel_loop3A_458 = arith.constant 11 : i32
      %parallel_loop3A_459 = arith.index_cast %parallel_loop3A_458 : i32 to index
      %parallel_loop3A_460 = arith.index_cast %parallel_loop3A_295 : i32 to index
      %parallel_loop3A_461 = tpu.vector_load %arg7[%parallel_loop3A_459, %parallel_loop3A_460] {strides = array<i32>} : memref<32x512xf32, #tpu.memory_space<vmem>>, vector<16xf32>,
      tpu.vector_store %arg7[%parallel_loop3A_459, %parallel_loop3A_460], %parallel_loop3A_457 {strides = array<i32>} : memref<32x512xf32, #tpu.memory_space<vmem>>, vector<16xf32>,
      %parallel_loop3A_462 = arith.constant 11 : i32
      %parallel_loop3A_463 = arith.index_cast %parallel_loop3A_462 : i32 to index
      %parallel_loop3A_464 = arith.index_cast %parallel_loop3A_295 : i32 to index
      %parallel_loop3A_465 = tpu.vector_load %arg5[%parallel_loop3A_463, %parallel_loop3A_464] {strides = array<i32>} : memref<32x512xi32, #tpu.memory_space<vmem>>, vector<16xi32>,
      %parallel_loop3A_466 = arith.constant 1 : i32
      %parallel_loop3A_467 = vector.broadcast %parallel_loop3A_466 : i32 to vector<16xi32>
      %parallel_loop3A_468 = arith.shli %parallel_loop3A_456, %parallel_loop3A_467 : vector<16xi32>
      %parallel_loop3A_469 = arith.ori %parallel_loop3A_468, %parallel_loop3A_465 : vector<16xi32>
      %parallel_loop3A_470 = arith.andi %parallel_loop3A_469, %broadcast_in_dim3A_7 : vector<16xi32>
      %parallel_loop3A_471 = tpu.vector_load_idx %arg6[%parallel_loop3A_470, %broadcast_in_dim3A_252] : memref<8x32xf32, #tpu.memory_space<vmem>>[vector<16xi32>, vector<16xi32>], vector<16xf32>,
      %parallel_loop3A_472 = arith.constant 12 : i32
      %parallel_loop3A_473 = arith.index_cast %parallel_loop3A_472 : i32 to index
      %parallel_loop3A_474 = arith.index_cast %parallel_loop3A_295 : i32 to index
      %parallel_loop3A_475 = tpu.vector_load %arg7[%parallel_loop3A_473, %parallel_loop3A_474] {strides = array<i32>} : memref<32x512xf32, #tpu.memory_space<vmem>>, vector<16xf32>,
      tpu.vector_store %arg7[%parallel_loop3A_473, %parallel_loop3A_474], %parallel_loop3A_471 {strides = array<i32>} : memref<32x512xf32, #tpu.memory_space<vmem>>, vector<16xf32>,
      %parallel_loop3A_476 = arith.constant 12 : i32
      %parallel_loop3A_477 = arith.index_cast %parallel_loop3A_476 : i32 to index
      %parallel_loop3A_478 = arith.index_cast %parallel_loop3A_295 : i32 to index
      %parallel_loop3A_479 = tpu.vector_load %arg5[%parallel_loop3A_477, %parallel_loop3A_478] {strides = array<i32>} : memref<32x512xi32, #tpu.memory_space<vmem>>, vector<16xi32>,
      %parallel_loop3A_480 = arith.constant 1 : i32
      %parallel_loop3A_481 = vector.broadcast %parallel_loop3A_480 : i32 to vector<16xi32>
      %parallel_loop3A_482 = arith.shli %parallel_loop3A_470, %parallel_loop3A_481 : vector<16xi32>
      %parallel_loop3A_483 = arith.ori %parallel_loop3A_482, %parallel_loop3A_479 : vector<16xi32>
      %parallel_loop3A_484 = arith.andi %parallel_loop3A_483, %broadcast_in_dim3A_7 : vector<16xi32>
      %parallel_loop3A_485 = tpu.vector_load_idx %arg6[%parallel_loop3A_484, %broadcast_in_dim3A_254] : memref<8x32xf32, #tpu.memory_space<vmem>>[vector<16xi32>, vector<16xi32>], vector<16xf32>,
      %parallel_loop3A_486 = arith.constant 13 : i32
      %parallel_loop3A_487 = arith.index_cast %parallel_loop3A_486 : i32 to index
      %parallel_loop3A_488 = arith.index_cast %parallel_loop3A_295 : i32 to index
      %parallel_loop3A_489 = tpu.vector_load %arg7[%parallel_loop3A_487, %parallel_loop3A_488] {strides = array<i32>} : memref<32x512xf32, #tpu.memory_space<vmem>>, vector<16xf32>,
      tpu.vector_store %arg7[%parallel_loop3A_487, %parallel_loop3A_488], %parallel_loop3A_485 {strides = array<i32>} : memref<32x512xf32, #tpu.memory_space<vmem>>, vector<16xf32>,
      %parallel_loop3A_490 = arith.constant 13 : i32
      %parallel_loop3A_491 = arith.index_cast %parallel_loop3A_490 : i32 to index
      %parallel_loop3A_492 = arith.index_cast %parallel_loop3A_295 : i32 to index
      %parallel_loop3A_493 = tpu.vector_load %arg5[%parallel_loop3A_491, %parallel_loop3A_492] {strides = array<i32>} : memref<32x512xi32, #tpu.memory_space<vmem>>, vector<16xi32>,
      %parallel_loop3A_494 = arith.constant 1 : i32
      %parallel_loop3A_495 = vector.broadcast %parallel_loop3A_494 : i32 to vector<16xi32>
      %parallel_loop3A_496 = arith.shli %parallel_loop3A_484, %parallel_loop3A_495 : vector<16xi32>
      %parallel_loop3A_497 = arith.ori %parallel_loop3A_496, %parallel_loop3A_493 : vector<16xi32>
      %parallel_loop3A_498 = arith.andi %parallel_loop3A_497, %broadcast_in_dim3A_7 : vector<16xi32>
      %parallel_loop3A_499 = tpu.vector_load_idx %arg6[%parallel_loop3A_498, %broadcast_in_dim3A_256] : memref<8x32xf32, #tpu.memory_space<vmem>>[vector<16xi32>, vector<16xi32>], vector<16xf32>,
      %parallel_loop3A_500 = arith.constant 14 : i32
      %parallel_loop3A_501 = arith.index_cast %parallel_loop3A_500 : i32 to index
      %parallel_loop3A_502 = arith.index_cast %parallel_loop3A_295 : i32 to index
      %parallel_loop3A_503 = tpu.vector_load %arg7[%parallel_loop3A_501, %parallel_loop3A_502] {strides = array<i32>} : memref<32x512xf32, #tpu.memory_space<vmem>>, vector<16xf32>,
      tpu.vector_store %arg7[%parallel_loop3A_501, %parallel_loop3A_502], %parallel_loop3A_499 {strides = array<i32>} : memref<32x512xf32, #tpu.memory_space<vmem>>, vector<16xf32>,
      %parallel_loop3A_504 = arith.constant 14 : i32
      %parallel_loop3A_505 = arith.index_cast %parallel_loop3A_504 : i32 to index
      %parallel_loop3A_506 = arith.index_cast %parallel_loop3A_295 : i32 to index
      %parallel_loop3A_507 = tpu.vector_load %arg5[%parallel_loop3A_505, %parallel_loop3A_506] {strides = array<i32>} : memref<32x512xi32, #tpu.memory_space<vmem>>, vector<16xi32>,
      %parallel_loop3A_508 = arith.constant 1 : i32
      %parallel_loop3A_509 = vector.broadcast %parallel_loop3A_508 : i32 to vector<16xi32>
      %parallel_loop3A_510 = arith.shli %parallel_loop3A_498, %parallel_loop3A_509 : vector<16xi32>
      %parallel_loop3A_511 = arith.ori %parallel_loop3A_510, %parallel_loop3A_507 : vector<16xi32>
      %parallel_loop3A_512 = arith.andi %parallel_loop3A_511, %broadcast_in_dim3A_7 : vector<16xi32>
      %parallel_loop3A_513 = tpu.vector_load_idx %arg6[%parallel_loop3A_512, %broadcast_in_dim3A_258] : memref<8x32xf32, #tpu.memory_space<vmem>>[vector<16xi32>, vector<16xi32>], vector<16xf32>,
      %parallel_loop3A_514 = arith.constant 15 : i32
      %parallel_loop3A_515 = arith.index_cast %parallel_loop3A_514 : i32 to index
      %parallel_loop3A_516 = arith.index_cast %parallel_loop3A_295 : i32 to index
      %parallel_loop3A_517 = tpu.vector_load %arg7[%parallel_loop3A_515, %parallel_loop3A_516] {strides = array<i32>} : memref<32x512xf32, #tpu.memory_space<vmem>>, vector<16xf32>,
      tpu.vector_store %arg7[%parallel_loop3A_515, %parallel_loop3A_516], %parallel_loop3A_513 {strides = array<i32>} : memref<32x512xf32, #tpu.memory_space<vmem>>, vector<16xf32>,
      %parallel_loop3A_518 = arith.constant 15 : i32
      %parallel_loop3A_519 = arith.index_cast %parallel_loop3A_518 : i32 to index
      %parallel_loop3A_520 = arith.index_cast %parallel_loop3A_295 : i32 to index
      %parallel_loop3A_521 = tpu.vector_load %arg5[%parallel_loop3A_519, %parallel_loop3A_520] {strides = array<i32>} : memref<32x512xi32, #tpu.memory_space<vmem>>, vector<16xi32>,
      %parallel_loop3A_522 = arith.constant 1 : i32
      %parallel_loop3A_523 = vector.broadcast %parallel_loop3A_522 : i32 to vector<16xi32>
      %parallel_loop3A_524 = arith.shli %parallel_loop3A_512, %parallel_loop3A_523 : vector<16xi32>
      %parallel_loop3A_525 = arith.ori %parallel_loop3A_524, %parallel_loop3A_521 : vector<16xi32>
      %parallel_loop3A_526 = arith.andi %parallel_loop3A_525, %broadcast_in_dim3A_7 : vector<16xi32>
      %parallel_loop3A_527 = tpu.vector_load_idx %arg6[%parallel_loop3A_526, %broadcast_in_dim3A_260] : memref<8x32xf32, #tpu.memory_space<vmem>>[vector<16xi32>, vector<16xi32>], vector<16xf32>,
      %parallel_loop3A_528 = arith.constant 16 : i32
      %parallel_loop3A_529 = arith.index_cast %parallel_loop3A_528 : i32 to index
      %parallel_loop3A_530 = arith.index_cast %parallel_loop3A_295 : i32 to index
      %parallel_loop3A_531 = tpu.vector_load %arg7[%parallel_loop3A_529, %parallel_loop3A_530] {strides = array<i32>} : memref<32x512xf32, #tpu.memory_space<vmem>>, vector<16xf32>,
      tpu.vector_store %arg7[%parallel_loop3A_529, %parallel_loop3A_530], %parallel_loop3A_527 {strides = array<i32>} : memref<32x512xf32, #tpu.memory_space<vmem>>, vector<16xf32>,
      %parallel_loop3A_532 = arith.constant 16 : i32
      %parallel_loop3A_533 = arith.index_cast %parallel_loop3A_532 : i32 to index
      %parallel_loop3A_534 = arith.index_cast %parallel_loop3A_295 : i32 to index
      %parallel_loop3A_535 = tpu.vector_load %arg5[%parallel_loop3A_533, %parallel_loop3A_534] {strides = array<i32>} : memref<32x512xi32, #tpu.memory_space<vmem>>, vector<16xi32>,
      %parallel_loop3A_536 = arith.constant 1 : i32
      %parallel_loop3A_537 = vector.broadcast %parallel_loop3A_536 : i32 to vector<16xi32>
      %parallel_loop3A_538 = arith.shli %parallel_loop3A_526, %parallel_loop3A_537 : vector<16xi32>
      %parallel_loop3A_539 = arith.ori %parallel_loop3A_538, %parallel_loop3A_535 : vector<16xi32>
      %parallel_loop3A_540 = arith.andi %parallel_loop3A_539, %broadcast_in_dim3A_7 : vector<16xi32>
      %parallel_loop3A_541 = tpu.vector_load_idx %arg6[%parallel_loop3A_540, %broadcast_in_dim3A_262] : memref<8x32xf32, #tpu.memory_space<vmem>>[vector<16xi32>, vector<16xi32>], vector<16xf32>,
      %parallel_loop3A_542 = arith.constant 17 : i32
      %parallel_loop3A_543 = arith.index_cast %parallel_loop3A_542 : i32 to index
      %parallel_loop3A_544 = arith.index_cast %parallel_loop3A_295 : i32 to index
      %parallel_loop3A_545 = tpu.vector_load %arg7[%parallel_loop3A_543, %parallel_loop3A_544] {strides = array<i32>} : memref<32x512xf32, #tpu.memory_space<vmem>>, vector<16xf32>,
      tpu.vector_store %arg7[%parallel_loop3A_543, %parallel_loop3A_544], %parallel_loop3A_541 {strides = array<i32>} : memref<32x512xf32, #tpu.memory_space<vmem>>, vector<16xf32>,
      %parallel_loop3A_546 = arith.constant 17 : i32
      %parallel_loop3A_547 = arith.index_cast %parallel_loop3A_546 : i32 to index
      %parallel_loop3A_548 = arith.index_cast %parallel_loop3A_295 : i32 to index
      %parallel_loop3A_549 = tpu.vector_load %arg5[%parallel_loop3A_547, %parallel_loop3A_548] {strides = array<i32>} : memref<32x512xi32, #tpu.memory_space<vmem>>, vector<16xi32>,
      %parallel_loop3A_550 = arith.constant 1 : i32
      %parallel_loop3A_551 = vector.broadcast %parallel_loop3A_550 : i32 to vector<16xi32>
      %parallel_loop3A_552 = arith.shli %parallel_loop3A_540, %parallel_loop3A_551 : vector<16xi32>
      %parallel_loop3A_553 = arith.ori %parallel_loop3A_552, %parallel_loop3A_549 : vector<16xi32>
      %parallel_loop3A_554 = arith.andi %parallel_loop3A_553, %broadcast_in_dim3A_7 : vector<16xi32>
      %parallel_loop3A_555 = tpu.vector_load_idx %arg6[%parallel_loop3A_554, %broadcast_in_dim3A_264] : memref<8x32xf32, #tpu.memory_space<vmem>>[vector<16xi32>, vector<16xi32>], vector<16xf32>,
      %parallel_loop3A_556 = arith.constant 18 : i32
      %parallel_loop3A_557 = arith.index_cast %parallel_loop3A_556 : i32 to index
      %parallel_loop3A_558 = arith.index_cast %parallel_loop3A_295 : i32 to index
      %parallel_loop3A_559 = tpu.vector_load %arg7[%parallel_loop3A_557, %parallel_loop3A_558] {strides = array<i32>} : memref<32x512xf32, #tpu.memory_space<vmem>>, vector<16xf32>,
      tpu.vector_store %arg7[%parallel_loop3A_557, %parallel_loop3A_558], %parallel_loop3A_555 {strides = array<i32>} : memref<32x512xf32, #tpu.memory_space<vmem>>, vector<16xf32>,
      %parallel_loop3A_560 = arith.constant 18 : i32
      %parallel_loop3A_561 = arith.index_cast %parallel_loop3A_560 : i32 to index
      %parallel_loop3A_562 = arith.index_cast %parallel_loop3A_295 : i32 to index
      %parallel_loop3A_563 = tpu.vector_load %arg5[%parallel_loop3A_561, %parallel_loop3A_562] {strides = array<i32>} : memref<32x512xi32, #tpu.memory_space<vmem>>, vector<16xi32>,
      %parallel_loop3A_564 = arith.constant 1 : i32
      %parallel_loop3A_565 = vector.broadcast %parallel_loop3A_564 : i32 to vector<16xi32>
      %parallel_loop3A_566 = arith.shli %parallel_loop3A_554, %parallel_loop3A_565 : vector<16xi32>
      %parallel_loop3A_567 = arith.ori %parallel_loop3A_566, %parallel_loop3A_563 : vector<16xi32>
      %parallel_loop3A_568 = arith.andi %parallel_loop3A_567, %broadcast_in_dim3A_7 : vector<16xi32>
      %parallel_loop3A_569 = tpu.vector_load_idx %arg6[%parallel_loop3A_568, %broadcast_in_dim3A_266] : memref<8x32xf32, #tpu.memory_space<vmem>>[vector<16xi32>, vector<16xi32>], vector<16xf32>,
      %parallel_loop3A_570 = arith.constant 19 : i32
      %parallel_loop3A_571 = arith.index_cast %parallel_loop3A_570 : i32 to index
      %parallel_loop3A_572 = arith.index_cast %parallel_loop3A_295 : i32 to index
      %parallel_loop3A_573 = tpu.vector_load %arg7[%parallel_loop3A_571, %parallel_loop3A_572] {strides = array<i32>} : memref<32x512xf32, #tpu.memory_space<vmem>>, vector<16xf32>,
      tpu.vector_store %arg7[%parallel_loop3A_571, %parallel_loop3A_572], %parallel_loop3A_569 {strides = array<i32>} : memref<32x512xf32, #tpu.memory_space<vmem>>, vector<16xf32>,
      %parallel_loop3A_574 = arith.constant 19 : i32
      %parallel_loop3A_575 = arith.index_cast %parallel_loop3A_574 : i32 to index
      %parallel_loop3A_576 = arith.index_cast %parallel_loop3A_295 : i32 to index
      %parallel_loop3A_577 = tpu.vector_load %arg5[%parallel_loop3A_575, %parallel_loop3A_576] {strides = array<i32>} : memref<32x512xi32, #tpu.memory_space<vmem>>, vector<16xi32>,
      %parallel_loop3A_578 = arith.constant 1 : i32
      %parallel_loop3A_579 = vector.broadcast %parallel_loop3A_578 : i32 to vector<16xi32>
      %parallel_loop3A_580 = arith.shli %parallel_loop3A_568, %parallel_loop3A_579 : vector<16xi32>
      %parallel_loop3A_581 = arith.ori %parallel_loop3A_580, %parallel_loop3A_577 : vector<16xi32>
      %parallel_loop3A_582 = arith.andi %parallel_loop3A_581, %broadcast_in_dim3A_7 : vector<16xi32>
      %parallel_loop3A_583 = tpu.vector_load_idx %arg6[%parallel_loop3A_582, %broadcast_in_dim3A_268] : memref<8x32xf32, #tpu.memory_space<vmem>>[vector<16xi32>, vector<16xi32>], vector<16xf32>,
      %parallel_loop3A_584 = arith.constant 20 : i32
      %parallel_loop3A_585 = arith.index_cast %parallel_loop3A_584 : i32 to index
      %parallel_loop3A_586 = arith.index_cast %parallel_loop3A_295 : i32 to index
      %parallel_loop3A_587 = tpu.vector_load %arg7[%parallel_loop3A_585, %parallel_loop3A_586] {strides = array<i32>} : memref<32x512xf32, #tpu.memory_space<vmem>>, vector<16xf32>,
      tpu.vector_store %arg7[%parallel_loop3A_585, %parallel_loop3A_586], %parallel_loop3A_583 {strides = array<i32>} : memref<32x512xf32, #tpu.memory_space<vmem>>, vector<16xf32>,
      %parallel_loop3A_588 = arith.constant 20 : i32
      %parallel_loop3A_589 = arith.index_cast %parallel_loop3A_588 : i32 to index
      %parallel_loop3A_590 = arith.index_cast %parallel_loop3A_295 : i32 to index
      %parallel_loop3A_591 = tpu.vector_load %arg5[%parallel_loop3A_589, %parallel_loop3A_590] {strides = array<i32>} : memref<32x512xi32, #tpu.memory_space<vmem>>, vector<16xi32>,
      %parallel_loop3A_592 = arith.constant 1 : i32
      %parallel_loop3A_593 = vector.broadcast %parallel_loop3A_592 : i32 to vector<16xi32>
      %parallel_loop3A_594 = arith.shli %parallel_loop3A_582, %parallel_loop3A_593 : vector<16xi32>
      %parallel_loop3A_595 = arith.ori %parallel_loop3A_594, %parallel_loop3A_591 : vector<16xi32>
      %parallel_loop3A_596 = arith.andi %parallel_loop3A_595, %broadcast_in_dim3A_7 : vector<16xi32>
      %parallel_loop3A_597 = tpu.vector_load_idx %arg6[%parallel_loop3A_596, %broadcast_in_dim3A_270] : memref<8x32xf32, #tpu.memory_space<vmem>>[vector<16xi32>, vector<16xi32>], vector<16xf32>,
      %parallel_loop3A_598 = arith.constant 21 : i32
      %parallel_loop3A_599 = arith.index_cast %parallel_loop3A_598 : i32 to index
      %parallel_loop3A_600 = arith.index_cast %parallel_loop3A_295 : i32 to index
      %parallel_loop3A_601 = tpu.vector_load %arg7[%parallel_loop3A_599, %parallel_loop3A_600] {strides = array<i32>} : memref<32x512xf32, #tpu.memory_space<vmem>>, vector<16xf32>,
      tpu.vector_store %arg7[%parallel_loop3A_599, %parallel_loop3A_600], %parallel_loop3A_597 {strides = array<i32>} : memref<32x512xf32, #tpu.memory_space<vmem>>, vector<16xf32>,
      %parallel_loop3A_602 = arith.constant 21 : i32
      %parallel_loop3A_603 = arith.index_cast %parallel_loop3A_602 : i32 to index
      %parallel_loop3A_604 = arith.index_cast %parallel_loop3A_295 : i32 to index
      %parallel_loop3A_605 = tpu.vector_load %arg5[%parallel_loop3A_603, %parallel_loop3A_604] {strides = array<i32>} : memref<32x512xi32, #tpu.memory_space<vmem>>, vector<16xi32>,
      %parallel_loop3A_606 = arith.constant 1 : i32
      %parallel_loop3A_607 = vector.broadcast %parallel_loop3A_606 : i32 to vector<16xi32>
      %parallel_loop3A_608 = arith.shli %parallel_loop3A_596, %parallel_loop3A_607 : vector<16xi32>
      %parallel_loop3A_609 = arith.ori %parallel_loop3A_608, %parallel_loop3A_605 : vector<16xi32>
      %parallel_loop3A_610 = arith.andi %parallel_loop3A_609, %broadcast_in_dim3A_7 : vector<16xi32>
      %parallel_loop3A_611 = tpu.vector_load_idx %arg6[%parallel_loop3A_610, %broadcast_in_dim3A_272] : memref<8x32xf32, #tpu.memory_space<vmem>>[vector<16xi32>, vector<16xi32>], vector<16xf32>,
      %parallel_loop3A_612 = arith.constant 22 : i32
      %parallel_loop3A_613 = arith.index_cast %parallel_loop3A_612 : i32 to index
      %parallel_loop3A_614 = arith.index_cast %parallel_loop3A_295 : i32 to index
      %parallel_loop3A_615 = tpu.vector_load %arg7[%parallel_loop3A_613, %parallel_loop3A_614] {strides = array<i32>} : memref<32x512xf32, #tpu.memory_space<vmem>>, vector<16xf32>,
      tpu.vector_store %arg7[%parallel_loop3A_613, %parallel_loop3A_614], %parallel_loop3A_611 {strides = array<i32>} : memref<32x512xf32, #tpu.memory_space<vmem>>, vector<16xf32>,
      %parallel_loop3A_616 = arith.constant 22 : i32
      %parallel_loop3A_617 = arith.index_cast %parallel_loop3A_616 : i32 to index
      %parallel_loop3A_618 = arith.index_cast %parallel_loop3A_295 : i32 to index
      %parallel_loop3A_619 = tpu.vector_load %arg5[%parallel_loop3A_617, %parallel_loop3A_618] {strides = array<i32>} : memref<32x512xi32, #tpu.memory_space<vmem>>, vector<16xi32>,
      %parallel_loop3A_620 = arith.constant 1 : i32
      %parallel_loop3A_621 = vector.broadcast %parallel_loop3A_620 : i32 to vector<16xi32>
      %parallel_loop3A_622 = arith.shli %parallel_loop3A_610, %parallel_loop3A_621 : vector<16xi32>
      %parallel_loop3A_623 = arith.ori %parallel_loop3A_622, %parallel_loop3A_619 : vector<16xi32>
      %parallel_loop3A_624 = arith.andi %parallel_loop3A_623, %broadcast_in_dim3A_7 : vector<16xi32>
      %parallel_loop3A_625 = tpu.vector_load_idx %arg6[%parallel_loop3A_624, %broadcast_in_dim3A_274] : memref<8x32xf32, #tpu.memory_space<vmem>>[vector<16xi32>, vector<16xi32>], vector<16xf32>,
      %parallel_loop3A_626 = arith.constant 23 : i32
      %parallel_loop3A_627 = arith.index_cast %parallel_loop3A_626 : i32 to index
      %parallel_loop3A_628 = arith.index_cast %parallel_loop3A_295 : i32 to index
      %parallel_loop3A_629 = tpu.vector_load %arg7[%parallel_loop3A_627, %parallel_loop3A_628] {strides = array<i32>} : memref<32x512xf32, #tpu.memory_space<vmem>>, vector<16xf32>,
      tpu.vector_store %arg7[%parallel_loop3A_627, %parallel_loop3A_628], %parallel_loop3A_625 {strides = array<i32>} : memref<32x512xf32, #tpu.memory_space<vmem>>, vector<16xf32>,
      %parallel_loop3A_630 = arith.constant 23 : i32
      %parallel_loop3A_631 = arith.index_cast %parallel_loop3A_630 : i32 to index
      %parallel_loop3A_632 = arith.index_cast %parallel_loop3A_295 : i32 to index
      %parallel_loop3A_633 = tpu.vector_load %arg5[%parallel_loop3A_631, %parallel_loop3A_632] {strides = array<i32>} : memref<32x512xi32, #tpu.memory_space<vmem>>, vector<16xi32>,
      %parallel_loop3A_634 = arith.constant 1 : i32
      %parallel_loop3A_635 = vector.broadcast %parallel_loop3A_634 : i32 to vector<16xi32>
      %parallel_loop3A_636 = arith.shli %parallel_loop3A_624, %parallel_loop3A_635 : vector<16xi32>
      %parallel_loop3A_637 = arith.ori %parallel_loop3A_636, %parallel_loop3A_633 : vector<16xi32>
      %parallel_loop3A_638 = arith.andi %parallel_loop3A_637, %broadcast_in_dim3A_7 : vector<16xi32>
      %parallel_loop3A_639 = tpu.vector_load_idx %arg6[%parallel_loop3A_638, %broadcast_in_dim3A_276] : memref<8x32xf32, #tpu.memory_space<vmem>>[vector<16xi32>, vector<16xi32>], vector<16xf32>,
      %parallel_loop3A_640 = arith.constant 24 : i32
      %parallel_loop3A_641 = arith.index_cast %parallel_loop3A_640 : i32 to index
      %parallel_loop3A_642 = arith.index_cast %parallel_loop3A_295 : i32 to index
      %parallel_loop3A_643 = tpu.vector_load %arg7[%parallel_loop3A_641, %parallel_loop3A_642] {strides = array<i32>} : memref<32x512xf32, #tpu.memory_space<vmem>>, vector<16xf32>,
      tpu.vector_store %arg7[%parallel_loop3A_641, %parallel_loop3A_642], %parallel_loop3A_639 {strides = array<i32>} : memref<32x512xf32, #tpu.memory_space<vmem>>, vector<16xf32>,
      %parallel_loop3A_644 = arith.constant 24 : i32
      %parallel_loop3A_645 = arith.index_cast %parallel_loop3A_644 : i32 to index
      %parallel_loop3A_646 = arith.index_cast %parallel_loop3A_295 : i32 to index
      %parallel_loop3A_647 = tpu.vector_load %arg5[%parallel_loop3A_645, %parallel_loop3A_646] {strides = array<i32>} : memref<32x512xi32, #tpu.memory_space<vmem>>, vector<16xi32>,
      %parallel_loop3A_648 = arith.constant 1 : i32
      %parallel_loop3A_649 = vector.broadcast %parallel_loop3A_648 : i32 to vector<16xi32>
      %parallel_loop3A_650 = arith.shli %parallel_loop3A_638, %parallel_loop3A_649 : vector<16xi32>
      %parallel_loop3A_651 = arith.ori %parallel_loop3A_650, %parallel_loop3A_647 : vector<16xi32>
      %parallel_loop3A_652 = arith.andi %parallel_loop3A_651, %broadcast_in_dim3A_7 : vector<16xi32>
      %parallel_loop3A_653 = tpu.vector_load_idx %arg6[%parallel_loop3A_652, %broadcast_in_dim3A_278] : memref<8x32xf32, #tpu.memory_space<vmem>>[vector<16xi32>, vector<16xi32>], vector<16xf32>,
      %parallel_loop3A_654 = arith.constant 25 : i32
      %parallel_loop3A_655 = arith.index_cast %parallel_loop3A_654 : i32 to index
      %parallel_loop3A_656 = arith.index_cast %parallel_loop3A_295 : i32 to index
      %parallel_loop3A_657 = tpu.vector_load %arg7[%parallel_loop3A_655, %parallel_loop3A_656] {strides = array<i32>} : memref<32x512xf32, #tpu.memory_space<vmem>>, vector<16xf32>,
      tpu.vector_store %arg7[%parallel_loop3A_655, %parallel_loop3A_656], %parallel_loop3A_653 {strides = array<i32>} : memref<32x512xf32, #tpu.memory_space<vmem>>, vector<16xf32>,
      %parallel_loop3A_658 = arith.constant 25 : i32
      %parallel_loop3A_659 = arith.index_cast %parallel_loop3A_658 : i32 to index
      %parallel_loop3A_660 = arith.index_cast %parallel_loop3A_295 : i32 to index
      %parallel_loop3A_661 = tpu.vector_load %arg5[%parallel_loop3A_659, %parallel_loop3A_660] {strides = array<i32>} : memref<32x512xi32, #tpu.memory_space<vmem>>, vector<16xi32>,
      %parallel_loop3A_662 = arith.constant 1 : i32
      %parallel_loop3A_663 = vector.broadcast %parallel_loop3A_662 : i32 to vector<16xi32>
      %parallel_loop3A_664 = arith.shli %parallel_loop3A_652, %parallel_loop3A_663 : vector<16xi32>
      %parallel_loop3A_665 = arith.ori %parallel_loop3A_664, %parallel_loop3A_661 : vector<16xi32>
      %parallel_loop3A_666 = arith.andi %parallel_loop3A_665, %broadcast_in_dim3A_7 : vector<16xi32>
      %parallel_loop3A_667 = tpu.vector_load_idx %arg6[%parallel_loop3A_666, %broadcast_in_dim3A_280] : memref<8x32xf32, #tpu.memory_space<vmem>>[vector<16xi32>, vector<16xi32>], vector<16xf32>,
      %parallel_loop3A_668 = arith.constant 26 : i32
      %parallel_loop3A_669 = arith.index_cast %parallel_loop3A_668 : i32 to index
      %parallel_loop3A_670 = arith.index_cast %parallel_loop3A_295 : i32 to index
      %parallel_loop3A_671 = tpu.vector_load %arg7[%parallel_loop3A_669, %parallel_loop3A_670] {strides = array<i32>} : memref<32x512xf32, #tpu.memory_space<vmem>>, vector<16xf32>,
      tpu.vector_store %arg7[%parallel_loop3A_669, %parallel_loop3A_670], %parallel_loop3A_667 {strides = array<i32>} : memref<32x512xf32, #tpu.memory_space<vmem>>, vector<16xf32>,
      %parallel_loop3A_672 = arith.constant 26 : i32
      %parallel_loop3A_673 = arith.index_cast %parallel_loop3A_672 : i32 to index
      %parallel_loop3A_674 = arith.index_cast %parallel_loop3A_295 : i32 to index
      %parallel_loop3A_675 = tpu.vector_load %arg5[%parallel_loop3A_673, %parallel_loop3A_674] {strides = array<i32>} : memref<32x512xi32, #tpu.memory_space<vmem>>, vector<16xi32>,
      %parallel_loop3A_676 = arith.constant 1 : i32
      %parallel_loop3A_677 = vector.broadcast %parallel_loop3A_676 : i32 to vector<16xi32>
      %parallel_loop3A_678 = arith.shli %parallel_loop3A_666, %parallel_loop3A_677 : vector<16xi32>
      %parallel_loop3A_679 = arith.ori %parallel_loop3A_678, %parallel_loop3A_675 : vector<16xi32>
      %parallel_loop3A_680 = arith.andi %parallel_loop3A_679, %broadcast_in_dim3A_7 : vector<16xi32>
      %parallel_loop3A_681 = tpu.vector_load_idx %arg6[%parallel_loop3A_680, %broadcast_in_dim3A_282] : memref<8x32xf32, #tpu.memory_space<vmem>>[vector<16xi32>, vector<16xi32>], vector<16xf32>,
      %parallel_loop3A_682 = arith.constant 27 : i32
      %parallel_loop3A_683 = arith.index_cast %parallel_loop3A_682 : i32 to index
      %parallel_loop3A_684 = arith.index_cast %parallel_loop3A_295 : i32 to index
      %parallel_loop3A_685 = tpu.vector_load %arg7[%parallel_loop3A_683, %parallel_loop3A_684] {strides = array<i32>} : memref<32x512xf32, #tpu.memory_space<vmem>>, vector<16xf32>,
      tpu.vector_store %arg7[%parallel_loop3A_683, %parallel_loop3A_684], %parallel_loop3A_681 {strides = array<i32>} : memref<32x512xf32, #tpu.memory_space<vmem>>, vector<16xf32>,
      %parallel_loop3A_686 = arith.constant 27 : i32
      %parallel_loop3A_687 = arith.index_cast %parallel_loop3A_686 : i32 to index
      %parallel_loop3A_688 = arith.index_cast %parallel_loop3A_295 : i32 to index
      %parallel_loop3A_689 = tpu.vector_load %arg5[%parallel_loop3A_687, %parallel_loop3A_688] {strides = array<i32>} : memref<32x512xi32, #tpu.memory_space<vmem>>, vector<16xi32>,
      %parallel_loop3A_690 = arith.constant 1 : i32
      %parallel_loop3A_691 = vector.broadcast %parallel_loop3A_690 : i32 to vector<16xi32>
      %parallel_loop3A_692 = arith.shli %parallel_loop3A_680, %parallel_loop3A_691 : vector<16xi32>
      %parallel_loop3A_693 = arith.ori %parallel_loop3A_692, %parallel_loop3A_689 : vector<16xi32>
      %parallel_loop3A_694 = arith.andi %parallel_loop3A_693, %broadcast_in_dim3A_7 : vector<16xi32>
      %parallel_loop3A_695 = tpu.vector_load_idx %arg6[%parallel_loop3A_694, %broadcast_in_dim3A_284] : memref<8x32xf32, #tpu.memory_space<vmem>>[vector<16xi32>, vector<16xi32>], vector<16xf32>,
      %parallel_loop3A_696 = arith.constant 28 : i32
      %parallel_loop3A_697 = arith.index_cast %parallel_loop3A_696 : i32 to index
      %parallel_loop3A_698 = arith.index_cast %parallel_loop3A_295 : i32 to index
      %parallel_loop3A_699 = tpu.vector_load %arg7[%parallel_loop3A_697, %parallel_loop3A_698] {strides = array<i32>} : memref<32x512xf32, #tpu.memory_space<vmem>>, vector<16xf32>,
      tpu.vector_store %arg7[%parallel_loop3A_697, %parallel_loop3A_698], %parallel_loop3A_695 {strides = array<i32>} : memref<32x512xf32, #tpu.memory_space<vmem>>, vector<16xf32>,
      %parallel_loop3A_700 = arith.constant 28 : i32
      %parallel_loop3A_701 = arith.index_cast %parallel_loop3A_700 : i32 to index
      %parallel_loop3A_702 = arith.index_cast %parallel_loop3A_295 : i32 to index
      %parallel_loop3A_703 = tpu.vector_load %arg5[%parallel_loop3A_701, %parallel_loop3A_702] {strides = array<i32>} : memref<32x512xi32, #tpu.memory_space<vmem>>, vector<16xi32>,
      %parallel_loop3A_704 = arith.constant 1 : i32
      %parallel_loop3A_705 = vector.broadcast %parallel_loop3A_704 : i32 to vector<16xi32>
      %parallel_loop3A_706 = arith.shli %parallel_loop3A_694, %parallel_loop3A_705 : vector<16xi32>
      %parallel_loop3A_707 = arith.ori %parallel_loop3A_706, %parallel_loop3A_703 : vector<16xi32>
      %parallel_loop3A_708 = arith.andi %parallel_loop3A_707, %broadcast_in_dim3A_7 : vector<16xi32>
      %parallel_loop3A_709 = tpu.vector_load_idx %arg6[%parallel_loop3A_708, %broadcast_in_dim3A_286] : memref<8x32xf32, #tpu.memory_space<vmem>>[vector<16xi32>, vector<16xi32>], vector<16xf32>,
      %parallel_loop3A_710 = arith.constant 29 : i32
      %parallel_loop3A_711 = arith.index_cast %parallel_loop3A_710 : i32 to index
      %parallel_loop3A_712 = arith.index_cast %parallel_loop3A_295 : i32 to index
      %parallel_loop3A_713 = tpu.vector_load %arg7[%parallel_loop3A_711, %parallel_loop3A_712] {strides = array<i32>} : memref<32x512xf32, #tpu.memory_space<vmem>>, vector<16xf32>,
      tpu.vector_store %arg7[%parallel_loop3A_711, %parallel_loop3A_712], %parallel_loop3A_709 {strides = array<i32>} : memref<32x512xf32, #tpu.memory_space<vmem>>, vector<16xf32>,
      %parallel_loop3A_714 = arith.constant 29 : i32
      %parallel_loop3A_715 = arith.index_cast %parallel_loop3A_714 : i32 to index
      %parallel_loop3A_716 = arith.index_cast %parallel_loop3A_295 : i32 to index
      %parallel_loop3A_717 = tpu.vector_load %arg5[%parallel_loop3A_715, %parallel_loop3A_716] {strides = array<i32>} : memref<32x512xi32, #tpu.memory_space<vmem>>, vector<16xi32>,
      %parallel_loop3A_718 = arith.constant 1 : i32
      %parallel_loop3A_719 = vector.broadcast %parallel_loop3A_718 : i32 to vector<16xi32>
      %parallel_loop3A_720 = arith.shli %parallel_loop3A_708, %parallel_loop3A_719 : vector<16xi32>
      %parallel_loop3A_721 = arith.ori %parallel_loop3A_720, %parallel_loop3A_717 : vector<16xi32>
      %parallel_loop3A_722 = arith.andi %parallel_loop3A_721, %broadcast_in_dim3A_7 : vector<16xi32>
      %parallel_loop3A_723 = tpu.vector_load_idx %arg6[%parallel_loop3A_722, %broadcast_in_dim3A_288] : memref<8x32xf32, #tpu.memory_space<vmem>>[vector<16xi32>, vector<16xi32>], vector<16xf32>,
      %parallel_loop3A_724 = arith.constant 30 : i32
      %parallel_loop3A_725 = arith.index_cast %parallel_loop3A_724 : i32 to index
      %parallel_loop3A_726 = arith.index_cast %parallel_loop3A_295 : i32 to index
      %parallel_loop3A_727 = tpu.vector_load %arg7[%parallel_loop3A_725, %parallel_loop3A_726] {strides = array<i32>} : memref<32x512xf32, #tpu.memory_space<vmem>>, vector<16xf32>,
      tpu.vector_store %arg7[%parallel_loop3A_725, %parallel_loop3A_726], %parallel_loop3A_723 {strides = array<i32>} : memref<32x512xf32, #tpu.memory_space<vmem>>, vector<16xf32>,
      %parallel_loop3A_728 = arith.constant 30 : i32
      %parallel_loop3A_729 = arith.index_cast %parallel_loop3A_728 : i32 to index
      %parallel_loop3A_730 = arith.index_cast %parallel_loop3A_295 : i32 to index
      %parallel_loop3A_731 = tpu.vector_load %arg5[%parallel_loop3A_729, %parallel_loop3A_730] {strides = array<i32>} : memref<32x512xi32, #tpu.memory_space<vmem>>, vector<16xi32>,
      %parallel_loop3A_732 = arith.constant 1 : i32
      %parallel_loop3A_733 = vector.broadcast %parallel_loop3A_732 : i32 to vector<16xi32>
      %parallel_loop3A_734 = arith.shli %parallel_loop3A_722, %parallel_loop3A_733 : vector<16xi32>
      %parallel_loop3A_735 = arith.ori %parallel_loop3A_734, %parallel_loop3A_731 : vector<16xi32>
      %parallel_loop3A_736 = arith.andi %parallel_loop3A_735, %broadcast_in_dim3A_7 : vector<16xi32>
      %parallel_loop3A_737 = tpu.vector_load_idx %arg6[%parallel_loop3A_736, %broadcast_in_dim3A_290] : memref<8x32xf32, #tpu.memory_space<vmem>>[vector<16xi32>, vector<16xi32>], vector<16xf32>,
      %parallel_loop3A_738 = arith.constant 31 : i32
      %parallel_loop3A_739 = arith.index_cast %parallel_loop3A_738 : i32 to index
      %parallel_loop3A_740 = arith.index_cast %parallel_loop3A_295 : i32 to index
      %parallel_loop3A_741 = tpu.vector_load %arg7[%parallel_loop3A_739, %parallel_loop3A_740] {strides = array<i32>} : memref<32x512xf32, #tpu.memory_space<vmem>>, vector<16xf32>,
      tpu.vector_store %arg7[%parallel_loop3A_739, %parallel_loop3A_740], %parallel_loop3A_737 {strides = array<i32>} : memref<32x512xf32, #tpu.memory_space<vmem>>, vector<16xf32>,
    } {sc.loop_unroll_factor = 2 : i64, sc.parallel_access}
    "tpu.region"() ({
      %run_scoped3A = tpu.sem_alloc : memref<!tpu.dma_semaphore, #tpu.memory_space<semaphore_mem>>
      %dma_start3A = arith.constant 0 : i32
      %dma_start3A_293 = tpu.memref_slice %arg4[%dma_start3A, %mul3A_2] : memref<32x16384xf32, #tpu.memory_space<hbm>> -> memref<32x512xf32, #tpu.memory_space<hbm>>
      %dma_start3A_294 = arith.constant 0 : i32
      %dma_start3A_295 = tpu.memref_slice %arg4[%dma_start3A_294, %mul3A_2] : memref<32x16384xf32, #tpu.memory_space<hbm>> -> memref<32x512xf32, #tpu.memory_space<hbm>>
      tpu.enqueue_dma source(%arg7 : memref<32x512xf32, #tpu.memory_space<vmem>>) target(%dma_start3A_295 : memref<32x512xf32, #tpu.memory_space<hbm>>) target_semaphore(%run_scoped3A : memref<!tpu.dma_semaphore, #tpu.memory_space<semaphore_mem>>)
      %dma_wait3A = arith.constant 0 : i32
      %dma_wait3A_296 = tpu.memref_slice %arg4[%dma_wait3A, %mul3A_2] : memref<32x16384xf32, #tpu.memory_space<hbm>> -> memref<32x512xf32, #tpu.memory_space<hbm>>
      %dma_wait3A_297 = arith.constant 0 : i32
      %dma_wait3A_298 = tpu.memref_slice %arg4[%dma_wait3A_297, %mul3A_2] : memref<32x16384xf32, #tpu.memory_space<hbm>> -> memref<32x512xf32, #tpu.memory_space<hbm>>
      tpu.wait_dma2 semaphore(%run_scoped3A : memref<!tpu.dma_semaphore, #tpu.memory_space<semaphore_mem>>) src(%arg7 : memref<32x512xf32, #tpu.memory_space<vmem>>) dst(%dma_wait3A_298 : memref<32x512xf32, #tpu.memory_space<hbm>>)
      tpu.yield
    }) : () -> ()
    return
  }
}

</mosaic_0001>

<sc_bundles>
// kernel: kernel.3.cloned.1.call-start
scs
__scs_entry_jumppad:
0x0: {  	(pc) =	sbr.rel $0x88, $3  }
0x1: {  	(tag) =	ssettag $0x0;
	lr =	simm.s32 $0x1  }
0x2: {  	[smem:$0x3F9F] =	sst lr;
	_ =	strace $0xD0000000  }
0x3: {  	_ = 	snop  }
0x4: {  	_ = 	snop  }
0x5: {  	_ = 	snop  }
0x6: {  	_ = 	snop  }
0x7: {  	_ = 	snop  }
__scs_overlays_trampoline_lowered:
0x8: {  	[smem:$0x3FAE] =	sst s0  }
0x9: {  	[smem:$0x3FAF] =	sst s1  }
0xa: {  	[smem:$0x3FB0] =	sst s2  }
0xb: {  	[smem:$0x3FB1] =	sst s3  }
0xc: {  	[smem:$0x3FB2] =	sst s4  }
0xd: {  	[smem:$0x3FB3] =	sst s5  }
0xe: {  	[smem:$0x3FB4] =	sst s6  }
0xf: {  	[smem:$0x3FB5] =	sst s7  }
0x10: {  	[smem:$0x3FB6] =	sst s8  }
0x11: {  	[smem:$0x3FB7] =	sst s9;
	s0 =	simm.s32 @!p0 $0x0  }
0x12: {  	s1 =	sld [smem:$0x3F9D];
	s0 =	simm.s32 @p0 $0x1  }
0x13: {  	[smem:$0x3FB8] =	sst s0;
	s0 =	simm.s32 @!p1 $0x0  }
0x14: {  	s2 =	sld [smem:$0x3F9C];
	s0 =	simm.s32 @p1 $0x1  }
0x15: {  	[smem:$0x3FB9] =	sst s0;
	s0 =	simm.s32 @!p2 $0x0  }
0x16: {  	s3 =	sld [smem:$0x3FDB];
	s0 =	simm.s32 @p2 $0x1  }
0x17: {  	s4 =	simm.s32 $0x1BF5;
	[smem:$0x3FBB] =	sst s0  }
0x18: {  	s0 =	sld [smem:$0x3F9E];
	_ =	swait.ge [sflag:s4], $0x0  }
0x19: {  	s7 =	sld [smem:$0x3F9F]  }
0x1a: {  	s8 =	sadd.s32 $0xFFFFE003, lr  }
0x1b: {  	s9 =	sadd.s32 $0xFFFFFEF7, lr;
	s5 =	simm.s32 $0xFFFFFFFF;
	p2 =	slt.u32 s8, $0xFFFFF086  }
0x1c: {  	p1 =	slt.u32 s9, $0xF7A;
	s5 =	simm.s32 @!p2 $0x0  }
0x1d: {  	s5 =	simm.s32 @p1 $0x1;
	p0 =	seq.s32 s7, s2  }
0x1e: {  	s7 =	smul.u32 @!p0 $0xF7A, s2;
	p2 =	seq.s32 @!p0 s5, $0x0  }
0x1f: {  	s9 =	smul.u32 $0xF7A, s1;
	s8 =	simm.s32 @!p0 $0x1BF5;
	p2 =	por !p2, p0  }
0x20: {  	[sflag:s8] =	ssyncset.s32 @!p0 $0xFFFFF086;
	s6 =	sadd.s32 @!p0 s3, s7;
	s7 =	simm.s32 @!p0 $0x108  }
0x21: {  	s3 =	sadd.s32 s3, s9;
	s6 =	sadd.s32 @!p0 $0x88, s6;
	s7 =	simm.s32 @p2 $0x1082  }
0x22: {  	[simem:s7], [sflag:s8] =	dma.local @!p0 [hbm:s6], $0xF7A  }
0x23: {  	s9 =	sor.u32 $0xD0000000, s2;
	s6 =	simm.s32 $0x108;
	_ =	swait.ge @!p0 [sflag:s8], $0x0  }
0x24: {  	s3 =	sadd.s32 $0x88, s3;
	s6 =	simm.s32 @!p1 $0x1082;
	[sflag:s4] =	ssyncset.s32 $0xFFFFF086  }
0x25: {  	[simem:s6], [sflag:s4] =	dma.local [hbm:s3], $0xF7A  }
0x26: {  	[smem:$0x3F9F] =	sst s1;
	(tag) =	ssettag s2;
	_ =	strace s9  }
0x27: {  	s1 =	sld [smem:$0x3FAF]  }
0x28: {  	s2 =	sld [smem:$0x3FB0]  }
0x29: {  	s4 =	sld [smem:$0x3FB2]  }
0x2a: {  	p0 =	seq.s32 s5, $0x0;
	s5 =	sld [smem:$0x3FB3]  }
0x2b: {  	s6 =	sld [smem:$0x3FB4]  }
0x2c: {  	s7 =	sld [smem:$0x3FB5]  }
0x2d: {  	s3 =	simm.s32 $0x108;
	s8 =	sld [smem:$0x3FB6]  }
0x2e: {  	s3 =	simm.s32 @!p0 $0x1082;
	s9 =	sld [smem:$0x3FB7]  }
0x2f: {  	lr =	sadd.s32 s0, s3;
	s0 =	sld [smem:$0x3FAE]  }
0x30: {  	s3 =	sld [smem:$0x3FB1]  }
0x31: {  	[smem:$0x3FBA] =	sst s10  }
0x32: {  	s10 =	sld [smem:$0x3FB8];
	_ =	sdelay $0x3  }
0x33: {  	p0 =	seq.s32 s10, $0x1;
	s10 =	sld [smem:$0x3FBA];
	_ =	sdelay $0x3  }
0x34: {  	[smem:$0x3FBA] =	sst s10  }
0x35: {  	s10 =	sld [smem:$0x3FB9];
	_ =	sdelay $0x3  }
0x36: {  	p1 =	seq.s32 s10, $0x1;
	s10 =	sld [smem:$0x3FBA];
	_ =	sdelay $0x3  }
0x37: {  	[smem:$0x3FBA] =	sst s10  }
0x38: {  	s10 =	sld [smem:$0x3FBB]  }
0x39: {  	_ = 	snop;
	(pc) =	sbr.ind lr, $3  }
0x3a: {  	_ = 	snop  }
0x3b: {  	_ = 	snop  }
0x3c: {  	p2 =	seq.s32 s10, $0x1;
	s10 =	sld [smem:$0x3FBA]  }
0x3d: {  	_ =	shalt  }
0x3e: {  	_ =	shalt  }
0x3f: {  	_ =	shalt  }
0x40: {  	_ =	shalt  }
0x41: {  	_ =	shalt  }
0x42: {  	_ =	shalt  }
0x43: {  	_ =	shalt  }
0x44: {  	_ =	shalt  }
0x45: {  	_ =	shalt  }
0x46: {  	_ =	shalt  }
0x47: {  	_ =	shalt  }
0x48: {  	_ =	shalt  }
0x49: {  	_ =	shalt  }
0x4a: {  	_ =	shalt  }
0x4b: {  	_ =	shalt  }
0x4c: {  	_ =	shalt  }
0x4d: {  	_ =	shalt  }
0x4e: {  	_ =	shalt  }
0x4f: {  	_ =	shalt  }
0x50: {  	_ =	shalt  }
0x51: {  	_ =	shalt  }
0x52: {  	_ =	shalt  }
0x53: {  	_ =	shalt  }
0x54: {  	_ =	shalt  }
0x55: {  	_ =	shalt  }
0x56: {  	_ =	shalt  }
0x57: {  	_ =	shalt  }
0x58: {  	_ =	shalt  }
0x59: {  	_ =	shalt  }
0x5a: {  	_ =	shalt  }
0x5b: {  	_ =	shalt  }
0x5c: {  	_ =	shalt  }
0x5d: {  	_ =	shalt  }
0x5e: {  	_ =	shalt  }
0x5f: {  	_ =	shalt  }
0x60: {  	_ =	shalt  }
0x61: {  	_ =	shalt  }
0x62: {  	_ =	shalt  }
0x63: {  	_ =	shalt  }
0x64: {  	_ =	shalt  }
0x65: {  	_ =	shalt  }
0x66: {  	_ =	shalt  }
0x67: {  	_ =	shalt  }
0x68: {  	_ =	shalt  }
0x69: {  	_ =	shalt  }
0x6a: {  	_ =	shalt  }
0x6b: {  	_ =	shalt  }
0x6c: {  	_ =	shalt  }
0x6d: {  	_ =	shalt  }
0x6e: {  	_ =	shalt  }
0x6f: {  	_ =	shalt  }
0x70: {  	_ =	shalt  }
0x71: {  	_ =	shalt  }
0x72: {  	_ =	shalt  }
0x73: {  	_ =	shalt  }
0x74: {  	_ =	shalt  }
0x75: {  	_ =	shalt  }
0x76: {  	_ =	shalt  }
0x77: {  	_ =	shalt  }
0x78: {  	_ =	shalt  }
0x79: {  	_ =	shalt  }
0x7a: {  	_ =	shalt  }
0x7b: {  	_ =	shalt  }
0x7c: {  	_ =	shalt  }
0x7d: {  	_ =	shalt  }
0x7e: {  	_ =	shalt  }
0x7f: {  	_ =	shalt  }
0x80: {  	_ =	shalt  }
0x81: {  	_ =	shalt  }
0x82: {  	_ =	shalt  }
0x83: {  	_ =	shalt  }
0x84: {  	_ =	shalt  }
0x85: {  	_ =	shalt  }
0x86: {  	_ =	shalt  }
0x87: {  	_ =	shalt  }
.Lfunc_end0:
.L_simem_size_0:
called_computation_lowered:
.L_overlay_start_0:
0x88: {  	s2 =	sld [smem:$0x3FD9]  }
0x89: {  	s3 =	sld [smem:$0x3FFE];
	_ =	sdelay $0x1  }
0x8a: {  	s1 =	srdreg.scid  }
0x8b: {  	s0 =	sand.u32 $0x1, s1  }
0x8c: {  	s18 =	sshll.u32 s0, $0xA;
	s2 =	sadd.s32 s3, s2  }
0x8d: {  	s2 =	sadd.s32 s2, s18  }
0x8e: {  	[smem:$0x3FC6] =	sst s2  }
0x8f: {  	_ = 	snop  }
0x90: {  	s2 =	sld [smem:$0x3FC9]  }
0x91: {  	s19 =	sld [smem:$0x3FC8]  }
0x92: {  	s4 =	sld [smem:$0x3FD0];
	(tm) =	ssettm $0x1  }
0x93: {  	s5 =	sld [smem:$0x3FFB];
	_ =	sdelay $0x3  }
0x94: {  	_ =	strace s5  }
0x95: {  	s5 =	sld [smem:$0x3FFC];
	_ =	sdelay $0x3  }
0x96: {  	_ =	strace s5  }
0x97: {  	s5 =	sld [smem:$0x3FFD];
	_ =	sdelay $0x3  }
0x98: {  	_ =	strace s5  }
0x99: {  	_ =	strace $0x8FFFFFFF  }
0x9a: {  	s20 =	sld [smem:$0x3FDB];
	_ =	sdelay $0x1  }
0x9b: {  	s6 =	simm.s32 $_scs_section_size  }
0x9c: {  	s7 =	simm.s32 $_size__tile_overlayer_lowered;
	s8 =	simm.s32 $_tile_overlayer_lowered  }
0x9d: {  	s23 =	simm.s32 $0x1BFF;
	s22 =	sshll.u32 s8, $0x1;
	s5 =	sadd.s32 s6, s20  }
0x9e: {  	s9 =	simm.s32 $0x0;
	s21 =	sshll.u32 s7, $0x1;
	s7 =	sadd.s32 s22, s5  }
0x9f: {  	[timem:s9], [sflag:s23] =	dma.local [hbm:s7], s21  }
0xa0: {  	_ =	swait.ge [sflag:s23], s21  }
0xa1: {  	s6 =	ssub.s32 $0x0, s21;
	[sflag:s23] =	ssyncset.done $0x0  }
0xa2: {  	[sflag:s23] =	ssyncadd.s32 s6;
	_ =	sdelay $0x1  }
0xa3: {  	s24 =	simm.s32 $0x1B8B  }
0xa4: {  	_ =	swait.ge [sflag:s24], $0x1  }
0xa5: {  	[sflag:s24] =	ssyncset.done $0x0  }
0xa6: {  	s25 =	simm.s32 $0x1B8E;
	[sflag:s24] =	ssyncadd.s32 $0xFFFFFFFF  }
0xa7: {  	s26 =	simm.s32 $execute0_lowered;
	[smem:$0x3FD2] =	sst s25  }
0xa8: {  	s6 =	sshll.u32 s26, $0x1;
	_ =	strace $0x80000046;
	[dreg:$0x1] =	wrdreg $0xFFFFFFFF  }
0xa9: {  	s28 =	simm.s32 $_size_execute0_lowered;
	s5 =	sadd.s32 s5, s6;
	[dreg:$0x0] =	wrdreg $0x0  }
0xaa: {  	s6 =	sshll.u32 s28, $0x1;
	[dreg:$0x2] =	wrdreg s5  }
0xab: {  	[dreg:$0x3] =	wrdreg s6  }
0xac: {  	[dreg:$0x4] =	wrdreg $0xC0  }
0xad: {  	_ =	task [dreg:s9], $0x5FFFF  }
0xae: {  	[dreg:$0x1] =	wrdreg $0xFFFFFFFF  }
0xaf: {  	[dreg:$0x0] =	wrdreg $0x60  }
0xb0: {  	[dreg:$0x2] =	wrdreg s2  }
0xb1: {  	[dreg:$0x3] =	wrdreg s19  }
0xb2: {  	[dreg:$0x4] =	wrdreg s4  }
0xb3: {  	[dreg:$0x5] =	wrdreg $0x9  }
0xb4: {  	_ =	task.clear_ibuf [dreg:s9], $0x6FFFF;
	_ =	strace $0x90000046  }
0xb5: {  	s29 =	simm.s32 $0x9;
	_ =	strace $0x80000048  }
0xb6: {  	_ =	swait.ge [sflag:s29], $0x1  }
0xb7: {  	[sflag:s29] =	ssyncadd.s32 $0xFFFFFFFF  }
0xb8: {  	_ =	strace $0x90000048  }
0xb9: {  	_ =	sfence  }
0xba: {  	s30 =	sld [smem:$0x0];
	_ =	sdelay $0x2  }
0xbb: {  	s31 =	sshll.u32 s1, $0xD;
	s1 =	sshrl.u32 s1, $0x2  }
0xbc: {  	s3 =	sand.u32 $0x4000, s31;
	s1 =	sadd.s32 s1, s30  }
0xbd: {  	s0 =	sor.u32 s3, s0;
	s1 =	sshll.u32 s1, $0x11  }
0xbe: {  	s0 =	sor.u32 s1, s0  }
0xbf: {  	s0 =	sadd.s32 $0x8F2B, s0  }
0xc0: {  	[sflag:s0] =	ssyncadd.remote.s32 $0x1  }
0xc1: {  	_ =	sfence.sel $0xFFFF  }
0xc2: {  	[dreg:$0x0] =	wrdreg $0xFFFFFFFF;
	(pc) =	sbr.abs _section_cstart, $3  }
0xc3: {  	[dreg:$0x1] =	wrdreg $0xFFFFFFFF  }
0xc4: {  	_ =	task.clear_ibuf [dreg:s9], $0x2FFFF;
	_ =	strace $0x9FFFFFFF  }
0xc5: {  	(tm) =	ssettm $0x7FFFFFFF  }
tec
execute0_lowered:
.L_overlay_start_1:
0x0: {  	(tag) =	ssettag $0x1  }
0x1: {  	s0 =	rddreg [dreg:$0x0]  }
0x2: {  	s1 =	rddreg [dreg:$0x2];
	s2 =	srdreg.scid;
	s3 =	simm.s32 $0x0  }
0x3: {  	s5 =	stileid.u32;
	s10 =	simm.s32 $0x4000;
	s2 =	sand.u32 $0x1, s2  }
0x4: {  	s5 =	sshll.u32 s5, $0xA;
	s29 =	ssub.s32 $0x2, s2;
	s2 =	sshll.u32 s2, $0x9  }
0x5: {  	[smem:$0x7FF] =	sst s3;
	s4 =	sshrl.u32 s29, $0x1;
	s2 =	sor.u32 s2, s5  }
0x6: {  	_ =	strace $0x80000047;
	s3 =	ssub.s32 s29, s4;
	s0 =	sadd.s32 s0, s2  }
0x7: {  	s30 =	sadd.s32 s1, s2;
	s1 =	simm.s32 $0x1000;
	[dreg:$0x9] =	wrdreg s0  }
0x8: {  	s2 =	simm.s32 $0x20000;
	[dreg:$0xa] =	wrdreg s30;
	s31 =	smax.u32 s3, $0x1  }
0x9: {  	s4 =	simm.s32 $0x1;
	s3 =	simm.s32 $0x0;
	[dreg:$0xb] =	wrdreg s31  }
.LBB2_1:
0xa: {  	[dreg:$0xc] =	wrdreg s3  }
0xb: {  	s7 =	simm.s32 $0x0;
	s0 =	rddreg [dreg:$0x9]  }
0xc: {  	[tilespmem:s7], [sflag:$0x1] =	stream.strided.gather [hbm4b:s0+s1], $0x4000, s2, s1, $0x38;
	[tilespmem:$0x8400] =	vst v63  }
0xd: {  	_ =	swait.ge [sflag:s4], $0x4000  }
0xe: {  	[sflag:s4] =	ssyncset.done $0x0  }
0xf: {  	[sflag:s4] =	ssyncadd.s32 $0xFFFFC000  }
0x10: {  	s8 =	rddreg [dreg:$0x1]  }
0x11: {  	[tilespmem:s10], [sflag:$0x1] =	stream.linear.gather [hbm4b:s8+s7], $0x400, $0x38;
	[tilespmem:$0x8400] =	vst v63  }
0x12: {  	_ =	swait.ge [sflag:s4], $0x400  }
0x13: {  	[sflag:s4] =	ssyncset.done $0x0  }
0x14: {  	[sflag:s4] =	ssyncadd.s32 $0xFFFFFC00  }
0x15: {  	v0 =	vld [tilespmem:$0x4000];
	_ =	sdelay $0x4  }
0x16: {  	v0 =	vsub.f32 $0.0e+00, v0;
	_ =	sdelay $0x1  }
0x17: {  	v0 =	vmul.f32 $1.442695020e+00, v0;
	_ =	sdelay $0x1  }
0x18: {  	(erf) = vpow2.f32 v0;
	_ =	sdelay $0x3  }
0x19: {  	v0 =	vld [tilespmem:$0x4010];
	_ =	sdelay $0x4  }
0x1a: {  	v0 =	vsub.f32 $0.0e+00, v0;
	v1 =	vpop (erf)  }
0x1b: {  	v1 =	vadd.f32 $1.000000000e+00, v1  }
0x1c: {  	v0 =	vmul.f32 $1.442695020e+00, v0  }
0x1d: {  	(erf) = vrcp.f32 v1  }
0x1e: {  	(erf) = vpow2.f32 v0;
	_ =	sdelay $0x3  }
0x1f: {  	v0 =	vld [tilespmem:$0x4080];
	_ =	sdelay $0x3  }
0x20: {  	v1 =	vpop (erf)  }
0x21: {  	v0 =	vsub.f32 $0.0e+00, v0;
	v2 =	vpop (erf)  }
0x22: {  	v2 =	vadd.f32 $1.000000000e+00, v2  }
0x23: {  	v0 =	vmul.f32 $1.442695020e+00, v0  }
0x24: {  	(erf) = vrcp.f32 v2  }
0x25: {  	(erf) = vpow2.f32 v0;
	_ =	sdelay $0x7  }
0x26: {  	v0 =	vpop (erf)  }
0x27: {  	v2 =	vpop (erf)  }
0x28: {  	v2 =	vadd.f32 $1.000000000e+00, v2;
	_ =	sdelay $0x1  }
0x29: {  	(erf) = vrcp.f32 v2;
	_ =	sdelay $0x8  }
0x2a: {  	[tilespmem:$0x4010] =	vst v0;
	v0 =	vpop (erf)  }
0x2b: {  	[tilespmem:$0x4080] =	vst v0;
	v0 =	vld [tilespmem:$0x4090];
	_ =	sdelay $0x4  }
0x2c: {  	v0 =	vsub.f32 $0.0e+00, v0;
	_ =	sdelay $0x1  }
0x2d: {  	v0 =	vmul.f32 $1.442695020e+00, v0;
	_ =	sdelay $0x1  }
0x2e: {  	(erf) = vpow2.f32 v0;
	_ =	sdelay $0x3  }
0x2f: {  	v0 =	vld [tilespmem:$0x4100];
	_ =	sdelay $0x4  }
0x30: {  	[tilespmem:$0x4000] =	vst v1;
	v0 =	vsub.f32 $0.0e+00, v0;
	v1 =	vpop (erf)  }
0x31: {  	v1 =	vadd.f32 $1.000000000e+00, v1  }
0x32: {  	v0 =	vmul.f32 $1.442695020e+00, v0  }
0x33: {  	(erf) = vrcp.f32 v1  }
0x34: {  	(erf) = vpow2.f32 v0;
	_ =	sdelay $0x3  }
0x35: {  	v0 =	vld [tilespmem:$0x4110];
	_ =	sdelay $0x3  }
0x36: {  	v1 =	vpop (erf)  }
0x37: {  	v0 =	vsub.f32 $0.0e+00, v0;
	v2 =	vpop (erf)  }
0x38: {  	v2 =	vadd.f32 $1.000000000e+00, v2  }
0x39: {  	v0 =	vmul.f32 $1.442695020e+00, v0  }
0x3a: {  	(erf) = vrcp.f32 v2  }
0x3b: {  	(erf) = vpow2.f32 v0;
	_ =	sdelay $0x3  }
0x3c: {  	v0 =	vld [tilespmem:$0x4180];
	_ =	sdelay $0x3  }
0x3d: {  	v2 =	vpop (erf)  }
0x3e: {  	v0 =	vsub.f32 $0.0e+00, v0;
	v3 =	vpop (erf)  }
0x3f: {  	v3 =	vadd.f32 $1.000000000e+00, v3  }
0x40: {  	v0 =	vmul.f32 $1.442695020e+00, v0  }
0x41: {  	(erf) = vrcp.f32 v3  }
0x42: {  	(erf) = vpow2.f32 v0;
	_ =	sdelay $0x3  }
0x43: {  	v0 =	vld [tilespmem:$0x4190];
	_ =	sdelay $0x3  }
0x44: {  	v3 =	vpop (erf)  }
0x45: {  	v0 =	vsub.f32 $0.0e+00, v0;
	v4 =	vpop (erf)  }
0x46: {  	v4 =	vadd.f32 $1.000000000e+00, v4  }
0x47: {  	v0 =	vmul.f32 $1.442695020e+00, v0  }
0x48: {  	(erf) = vrcp.f32 v4  }
0x49: {  	(erf) = vpow2.f32 v0;
	_ =	sdelay $0x3  }
0x4a: {  	v0 =	vld [tilespmem:$0x4200];
	_ =	sdelay $0x3  }
0x4b: {  	v4 =	vpop (erf)  }
0x4c: {  	v0 =	vsub.f32 $0.0e+00, v0;
	v5 =	vpop (erf)  }
0x4d: {  	v5 =	vadd.f32 $1.000000000e+00, v5  }
0x4e: {  	v0 =	vmul.f32 $1.442695020e+00, v0  }
0x4f: {  	(erf) = vrcp.f32 v5  }
0x50: {  	(erf) = vpow2.f32 v0;
	_ =	sdelay $0x3  }
0x51: {  	v0 =	vld [tilespmem:$0x4210];
	_ =	sdelay $0x3  }
0x52: {  	v5 =	vpop (erf)  }
0x53: {  	v0 =	vsub.f32 $0.0e+00, v0;
	v6 =	vpop (erf)  }
0x54: {  	v6 =	vadd.f32 $1.000000000e+00, v6  }
0x55: {  	v0 =	vmul.f32 $1.442695020e+00, v0  }
0x56: {  	(erf) = vrcp.f32 v6  }
0x57: {  	(erf) = vpow2.f32 v0;
	_ =	sdelay $0x3  }
0x58: {  	v0 =	vld [tilespmem:$0x4280];
	_ =	sdelay $0x3  }
0x59: {  	v6 =	vpop (erf)  }
0x5a: {  	v0 =	vsub.f32 $0.0e+00, v0;
	v7 =	vpop (erf)  }
0x5b: {  	v7 =	vadd.f32 $1.000000000e+00, v7  }
0x5c: {  	v0 =	vmul.f32 $1.442695020e+00, v0  }
0x5d: {  	(erf) = vrcp.f32 v7  }
0x5e: {  	(erf) = vpow2.f32 v0;
	_ =	sdelay $0x3  }
0x5f: {  	v0 =	vld [tilespmem:$0x4290];
	_ =	sdelay $0x3  }
0x60: {  	v7 =	vpop (erf)  }
0x61: {  	v0 =	vsub.f32 $0.0e+00, v0;
	v8 =	vpop (erf)  }
0x62: {  	v8 =	vadd.f32 $1.000000000e+00, v8  }
0x63: {  	v0 =	vmul.f32 $1.442695020e+00, v0  }
0x64: {  	(erf) = vrcp.f32 v8  }
0x65: {  	(erf) = vpow2.f32 v0;
	_ =	sdelay $0x3  }
0x66: {  	v0 =	vld [tilespmem:$0x4300];
	_ =	sdelay $0x3  }
0x67: {  	v8 =	vpop (erf)  }
0x68: {  	v0 =	vsub.f32 $0.0e+00, v0;
	v9 =	vpop (erf)  }
0x69: {  	v9 =	vadd.f32 $1.000000000e+00, v9  }
0x6a: {  	v0 =	vmul.f32 $1.442695020e+00, v0  }
0x6b: {  	(erf) = vrcp.f32 v9  }
0x6c: {  	(erf) = vpow2.f32 v0;
	_ =	sdelay $0x3  }
0x6d: {  	v0 =	vld [tilespmem:$0x4310];
	_ =	sdelay $0x3  }
0x6e: {  	v9 =	vpop (erf)  }
0x6f: {  	v0 =	vsub.f32 $0.0e+00, v0;
	v10 =	vpop (erf)  }
0x70: {  	v10 =	vadd.f32 $1.000000000e+00, v10  }
0x71: {  	v0 =	vmul.f32 $1.442695020e+00, v0  }
0x72: {  	(erf) = vrcp.f32 v10  }
0x73: {  	(erf) = vpow2.f32 v0;
	_ =	sdelay $0x3  }
0x74: {  	v0 =	vld [tilespmem:$0x4380];
	_ =	sdelay $0x3  }
0x75: {  	v10 =	vpop (erf)  }
0x76: {  	v0 =	vsub.f32 $0.0e+00, v0;
	v11 =	vpop (erf)  }
0x77: {  	v11 =	vadd.f32 $1.000000000e+00, v11  }
0x78: {  	v0 =	vmul.f32 $1.442695020e+00, v0  }
0x79: {  	(erf) = vrcp.f32 v11  }
0x7a: {  	(erf) = vpow2.f32 v0;
	_ =	sdelay $0x3  }
0x7b: {  	v0 =	vld [tilespmem:$0x4390];
	_ =	sdelay $0x3  }
0x7c: {  	v11 =	vpop (erf)  }
0x7d: {  	v0 =	vsub.f32 $0.0e+00, v0;
	v12 =	vpop (erf)  }
0x7e: {  	v12 =	vadd.f32 $1.000000000e+00, v12  }
0x7f: {  	v0 =	vmul.f32 $1.442695020e+00, v0  }
0x80: {  	(erf) = vrcp.f32 v12  }
0x81: {  	(erf) = vpow2.f32 v0;
	_ =	sdelay $0x7  }
0x82: {  	v0 =	vpop (erf)  }
0x83: {  	v12 =	vpop (erf)  }
0x84: {  	[tilespmem:$0x4090] =	vst v1;
	v1 =	vadd.f32 $1.000000000e+00, v12  }
0x85: {  	[tilespmem:$0x4100] =	vst v2  }
0x86: {  	[tilespmem:$0x4110] =	vst v3;
	(erf) = vrcp.f32 v1  }
0x87: {  	[tilespmem:$0x4180] =	vst v4  }
0x88: {  	[tilespmem:$0x4190] =	vst v5  }
0x89: {  	[tilespmem:$0x4200] =	vst v6  }
0x8a: {  	[tilespmem:$0x4210] =	vst v7  }
0x8b: {  	[tilespmem:$0x4280] =	vst v8  }
0x8c: {  	[tilespmem:$0x4290] =	vst v9  }
0x8d: {  	[tilespmem:$0x4300] =	vst v10  }
0x8e: {  	[tilespmem:$0x4310] =	vst v11  }
0x8f: {  	s28 =	sand.u32 $0x60, s7;
	s29 =	sand.u32 $0xC00, s7;
	[tilespmem:$0x4380] =	vst v0;
	v0 =	vpop (erf)  }
0x90: {  	s1 =	sor.u32 s28, s29;
	[tilespmem:$0x4390] =	vst v0  }
0x91: {  	v0 =	vld [tilespmem:s1+$0x0];
	_ =	sdelay $0x3  }
0x92: {  	v1 =	vld [tilespmem:s1+$0x0]  }
0x93: {  	v2 =	vshll.u32 v0, $0x6  }
0x94: {  	v2 =	vand.u32 $0xFFFFFF80, v2;
	_ =	sdelay $0x2  }
0x95: {  	v0 =	vand.u32 $0x6, v0;
	v1 =	vand.u32 $0x7, v1  }
0x96: {  	v0 =	vor.u32 v0, v1;
	v1 =	vld [tilespmem:s1+$0x80]  }
0x97: {  	v3 =	vshll.u32 v0, $0x7;
	v2 =	vld.idx.msk [tilespmem:v2+s10+$0x0], $0xffff  }
0x98: {  	v3 =	vor.u32 $0x1, v3;
	_ =	sdelay $0x1  }
0x99: {  	v0 =	vshll.u32 v0, $0x1  }
0x9a: {  	v0 =	vor.u32 v1, v0  }
0x9b: {  	v1 =	vand.u32 $0x7, v0;
	[tilespmem:s1+$0x4400] =	vst v2;
	v2 =	vld [tilespmem:s1+$0x100]  }
0x9c: {  	v1 =	vshll.u32 v1, $0x7;
	v3 =	vld.idx.msk [tilespmem:v3+s10+$0x0], $0xffff  }
0x9d: {  	v1 =	vor.u32 $0x2, v1;
	_ =	sdelay $0x1  }
0x9e: {  	v0 =	vshll.u32 v0, $0x1  }
0x9f: {  	v0 =	vor.u32 v2, v0  }
0xa0: {  	s30 =	sor.u32 $0x10, s28;
	[tilespmem:s1+$0x4480] =	vst v3;
	v0 =	vand.u32 $0x7, v0  }
0xa1: {  	s31 =	sor.u32 s29, s30;
	v1 =	vld.idx.msk [tilespmem:v1+s10+$0x0], $0xffff;
	v2 =	vshll.u32 v0, $0x7  }
0xa2: {  	v3 =	vld [tilespmem:s31+$0x0];
	v2 =	vor.u32 $0x3, v2;
	_ =	sdelay $0x2  }
0xa3: {  	s9 =	sand.u32 $0xFFFFFC00, s7  }
0xa4: {  	s4 =	sadd.s32 $0x0, s9;
	v4 =	vld [tilespmem:s31+$0x0];
	[tilespmem:s1+$0x4500] =	vst v1  }
0xa5: {  	s0 =	sor.u32 $0x180, s4;
	v1 =	vshll.u32 v3, $0x6;
	v2 =	vld.idx.msk [tilespmem:v2+s10+$0x0], $0xffff  }
0xa6: {  	v1 =	vand.u32 $0xFFFFFF80, v1;
	v5 =	vld [tilespmem:s0+$0x0];
	_ =	sdelay $0x2  }
0xa7: {  	v4 =	vand.u32 $0x7, v4;
	v3 =	vand.u32 $0x6, v3  }
0xa8: {  	v6 =	vld [tilespmem:s31+$0x80];
	v0 =	vshll.u32 v0, $0x1;
	v3 =	vor.u32 v3, v4  }
0xa9: {  	v4 =	vshll.u32 v3, $0x7;
	v1 =	vld.idx.msk [tilespmem:v1+s10+$0x0], $0xffff;
	v0 =	vor.u32 v5, v0;
	[tilespmem:s0+$0x4400] =	vst v2  }
0xaa: {  	v2 =	vor.u32 $0x1, v4;
	v4 =	vand.u32 $0x7, v0;
	v5 =	vld [tilespmem:s1+$0x200]  }
0xab: {  	v4 =	vshll.u32 v4, $0x7  }
0xac: {  	v3 =	vshll.u32 v3, $0x1;
	v4 =	vor.u32 $0x4, v4  }
0xad: {  	v3 =	vor.u32 v6, v3  }
0xae: {  	v6 =	vld [tilespmem:s31+$0x100];
	v7 =	vand.u32 $0x7, v3;
	v0 =	vshll.u32 v0, $0x1;
	[tilespmem:s31+$0x4400] =	vst v1  }
0xaf: {  	v1 =	vshll.u32 v7, $0x7;
	v2 =	vld.idx.msk [tilespmem:v2+s10+$0x0], $0xffff;
	v0 =	vor.u32 v5, v0  }
0xb0: {  	v1 =	vor.u32 $0x2, v1;
	v0 =	vand.u32 $0x7, v0  }
0xb1: {  	v4 =	vld.idx.msk [tilespmem:v4+s10+$0x0], $0xffff;
	v5 =	vshll.u32 v0, $0x7  }
0xb2: {  	v5 =	vor.u32 $0x5, v5  }
0xb3: {  	v3 =	vshll.u32 v3, $0x1  }
0xb4: {  	v3 =	vor.u32 v6, v3;
	v7 =	vld [tilespmem:s31+$0x180];
	[tilespmem:s31+$0x4480] =	vst v2  }
0xb5: {  	v2 =	vand.u32 $0x7, v3;
	v1 =	vld.idx.msk [tilespmem:v1+s10+$0x0], $0xffff  }
0xb6: {  	v3 =	vshll.u32 v2, $0x7;
	[tilespmem:s1+$0x4600] =	vst v4;
	v4 =	vld [tilespmem:s1+$0x280]  }
0xb7: {  	v3 =	vor.u32 $0x3, v3;
	v5 =	vld.idx.msk [tilespmem:v5+s10+$0x0], $0xffff;
	_ =	sdelay $0x1  }
0xb8: {  	s11 =	sand.u32 $0x3, s7;
	v2 =	vshll.u32 v2, $0x1  }
0xb9: {  	s0 =	sshll.u32 s11, $0x5;
	v0 =	vshll.u32 v0, $0x1;
	v2 =	vor.u32 v7, v2  }
0xba: {  	s2 =	sadd.s32 $0x0, s0;
	v6 =	vld [tilespmem:s31+$0x200];
	v7 =	vand.u32 $0x7, v2;
	[tilespmem:s31+$0x4500] =	vst v1;
	v0 =	vor.u32 v4, v0  }
0xbb: {  	s0 =	sor.u32 $0x300, s2;
	v1 =	vshll.u32 v7, $0x7;
	v3 =	vld.idx.msk [tilespmem:v3+s10+$0x0], $0xffff;
	v4 =	vand.u32 $0x7, v0;
	[tilespmem:s1+$0x4680] =	vst v5  }
0xbc: {  	v1 =	vor.u32 $0x4, v1;
	v4 =	vshll.u32 v4, $0x7;
	v5 =	vld [tilespmem:s0+$0x0]  }
0xbd: {  	v4 =	vor.u32 $0x6, v4  }
0xbe: {  	v2 =	vshll.u32 v2, $0x1  }
0xbf: {  	v2 =	vor.u32 v6, v2  }
0xc0: {  	v2 =	vand.u32 $0x7, v2;
	v0 =	vshll.u32 v0, $0x1;
	[tilespmem:s31+$0x4580] =	vst v3  }
0xc1: {  	v3 =	vshll.u32 v2, $0x7;
	v1 =	vld.idx.msk [tilespmem:v1+s10+$0x0], $0xffff;
	v0 =	vor.u32 v5, v0  }
0xc2: {  	v3 =	vor.u32 $0x5, v3;
	v4 =	vld.idx.msk [tilespmem:v4+s10+$0x0], $0xffff;
	v0 =	vand.u32 $0x7, v0  }
0xc3: {  	v5 =	vshll.u32 v0, $0x7  }
0xc4: {  	v5 =	vor.u32 $0x7, v5;
	_ =	sdelay $0x1  }
0xc5: {  	s5 =	sor.u32 s7, s7;
	v6 =	vld [tilespmem:s31+$0x280];
	[tilespmem:s31+$0x4600] =	vst v1  }
0xc6: {  	s3 =	sor.u32 $0x380, s5;
	v1 =	vld.idx.msk [tilespmem:v3+s10+$0x0], $0xffff;
	[tilespmem:s0+$0x4400] =	vst v4  }
0xc7: {  	v3 =	vld [tilespmem:s3+$0x0]  }
0xc8: {  	v4 =	vld.idx.msk [tilespmem:v5+s10+$0x0], $0xffff  }
0xc9: {  	v2 =	vshll.u32 v2, $0x1  }
0xca: {  	v2 =	vor.u32 v6, v2;
	s0 =	sadd.s32 $0x10, s2  }
0xcb: {  	s6 =	sor.u32 $0x300, s0;
	v5 =	vand.u32 $0x7, v2;
	[tilespmem:s31+$0x4680] =	vst v1  }
0xcc: {  	v0 =	vshll.u32 v0, $0x1;
	v1 =	vshll.u32 v5, $0x7;
	v5 =	vld [tilespmem:s6+$0x0]  }
0xcd: {  	v1 =	vor.u32 $0x6, v1;
	v0 =	vor.u32 v3, v0;
	[tilespmem:s3+$0x4400] =	vst v4  }
0xce: {  	v3 =	vand.u32 $0x7, v0;
	v4 =	vld [tilespmem:s1+$0x1000]  }
0xcf: {  	v3 =	vshll.u32 v3, $0x7  }
0xd0: {  	v2 =	vshll.u32 v2, $0x1;
	v3 =	vor.u32 $0x8, v3  }
0xd1: {  	v2 =	vor.u32 v5, v2  }
0xd2: {  	v0 =	vshll.u32 v0, $0x1;
	v1 =	vld.idx.msk [tilespmem:v1+s10+$0x0], $0xffff;
	v2 =	vand.u32 $0x7, v2  }
0xd3: {  	v5 =	vshll.u32 v2, $0x7;
	v0 =	vor.u32 v4, v0  }
0xd4: {  	v4 =	vor.u32 $0x7, v5;
	v5 =	vld [tilespmem:s1+$0x1080];
	v0 =	vand.u32 $0x7, v0  }
0xd5: {  	v3 =	vld.idx.msk [tilespmem:v3+s10+$0x0], $0xffff;
	v6 =	vshll.u32 v0, $0x7  }
0xd6: {  	v6 =	vor.u32 $0x9, v6  }
0xd7: {  	s12 =	sor.u32 $0x380, s0;
	[tilespmem:s6+$0x4400] =	vst v1  }
0xd8: {  	v0 =	vshll.u32 v0, $0x1;
	v1 =	vld [tilespmem:s12+$0x0]  }
0xd9: {  	v4 =	vld.idx.msk [tilespmem:v4+s10+$0x0], $0xffff;
	v0 =	vor.u32 v5, v0  }
0xda: {  	v5 =	vld [tilespmem:s1+$0x1100];
	[tilespmem:s1+$0x5400] =	vst v3;
	v3 =	vand.u32 $0x7, v0  }
0xdb: {  	v3 =	vshll.u32 v3, $0x7;
	v6 =	vld.idx.msk [tilespmem:v6+s10+$0x0], $0xffff  }
0xdc: {  	v3 =	vor.u32 $0xA, v3  }
0xdd: {  	v2 =	vshll.u32 v2, $0x1  }
0xde: {  	v0 =	vshll.u32 v0, $0x1;
	v1 =	vor.u32 v1, v2  }
0xdf: {  	v2 =	vand.u32 $0x7, v1;
	[tilespmem:s12+$0x4400] =	vst v4;
	v0 =	vor.u32 v5, v0  }
0xe0: {  	v2 =	vshll.u32 v2, $0x7;
	v4 =	vld [tilespmem:s31+$0x1000];
	v0 =	vand.u32 $0x7, v0;
	[tilespmem:s1+$0x5480] =	vst v6  }
0xe1: {  	v2 =	vor.u32 $0x8, v2;
	v5 =	vshll.u32 v0, $0x7;
	v3 =	vld.idx.msk [tilespmem:v3+s10+$0x0], $0xffff  }
0xe2: {  	v5 =	vor.u32 $0xB, v5;
	_ =	sdelay $0x1  }
0xe3: {  	v1 =	vshll.u32 v1, $0x1  }
0xe4: {  	v6 =	vld [tilespmem:s31+$0x1080];
	v1 =	vor.u32 v4, v1  }
0xe5: {  	v2 =	vld.idx.msk [tilespmem:v2+s10+$0x0], $0xffff;
	v1 =	vand.u32 $0x7, v1;
	[tilespmem:s1+$0x5500] =	vst v3  }
0xe6: {  	s13 =	sor.u32 $0x1180, s4;
	v3 =	vshll.u32 v1, $0x7;
	v4 =	vld.idx.msk [tilespmem:v5+s10+$0x0], $0xffff  }
0xe7: {  	v3 =	vor.u32 $0x9, v3;
	v5 =	vld [tilespmem:s13+$0x0];
	_ =	sdelay $0x1  }
0xe8: {  	v1 =	vshll.u32 v1, $0x1  }
0xe9: {  	v1 =	vor.u32 v6, v1  }
0xea: {  	v0 =	vshll.u32 v0, $0x1;
	v6 =	vld [tilespmem:s31+$0x1100];
	[tilespmem:s31+$0x5400] =	vst v2;
	v2 =	vand.u32 $0x7, v1  }
0xeb: {  	v2 =	vshll.u32 v2, $0x7;
	v3 =	vld.idx.msk [tilespmem:v3+s10+$0x0], $0xffff;
	[tilespmem:s13+$0x4400] =	vst v4;
	v0 =	vor.u32 v5, v0  }
0xec: {  	v2 =	vor.u32 $0xA, v2;
	v4 =	vand.u32 $0x7, v0;
	v5 =	vld [tilespmem:s1+$0x1200]  }
0xed: {  	v4 =	vshll.u32 v4, $0x7  }
0xee: {  	v1 =	vshll.u32 v1, $0x1;
	v4 =	vor.u32 $0xC, v4  }
0xef: {  	v1 =	vor.u32 v6, v1  }
0xf0: {  	v1 =	vand.u32 $0x7, v1;
	v0 =	vshll.u32 v0, $0x1;
	[tilespmem:s31+$0x5480] =	vst v3  }
0xf1: {  	v3 =	vshll.u32 v1, $0x7;
	v2 =	vld.idx.msk [tilespmem:v2+s10+$0x0], $0xffff;
	v0 =	vor.u32 v5, v0  }
0xf2: {  	v6 =	vld [tilespmem:s31+$0x1180];
	v3 =	vor.u32 $0xB, v3;
	v0 =	vand.u32 $0x7, v0  }
0xf3: {  	s14 =	simm.s32 $0x100;
	s15 =	simm.s32 $0x20;
	v4 =	vld.idx.msk [tilespmem:v4+s10+$0x0], $0xffff;
	v5 =	vshll.u32 v0, $0x7  }
0xf4: {  	s21 =	sand.u32 $0x60, s15;
	s22 =	sand.u32 $0xC00, s14;
	v5 =	vor.u32 $0xD, v5  }
0xf5: {  	s16 =	sor.u32 s21, s22  }
0xf6: {  	v1 =	vshll.u32 v1, $0x1;
	[tilespmem:s31+$0x5500] =	vst v2;
	v2 =	vld [tilespmem:s16+$0x0]  }
0xf7: {  	v1 =	vor.u32 v6, v1;
	v3 =	vld.idx.msk [tilespmem:v3+s10+$0x0], $0xffff  }
0xf8: {  	v6 =	vand.u32 $0x7, v1;
	[tilespmem:s1+$0x5600] =	vst v4;
	v4 =	vld [tilespmem:s1+$0x1280]  }
0xf9: {  	v6 =	vshll.u32 v6, $0x7;
	v5 =	vld.idx.msk [tilespmem:v5+s10+$0x0], $0xffff  }
0xfa: {  	v6 =	vor.u32 $0xC, v6;
	_ =	sdelay $0x1  }
0xfb: {  	v7 =	vld [tilespmem:s31+$0x1200]  }
0xfc: {  	v9 =	vld [tilespmem:s16+$0x0];
	v0 =	vshll.u32 v0, $0x1;
	[tilespmem:s31+$0x5580] =	vst v3  }
0xfd: {  	s8 =	sor.u32 $0x10, s21;
	v8 =	vshll.u32 v2, $0x6;
	v0 =	vor.u32 v4, v0;
	[tilespmem:s1+$0x5680] =	vst v5  }
0xfe: {  	s7 =	sor.u32 $0x1300, s2;
	v8 =	vand.u32 $0xFFFFFF80, v8;
	v3 =	vld.idx.msk [tilespmem:v6+s10+$0x0], $0xffff;
	v4 =	vand.u32 $0x7, v0;
	[dreg:$0x4] =	wrdreg s8  }
0xff: {  	v1 =	vshll.u32 v1, $0x1;
	v4 =	vshll.u32 v4, $0x7;
	v5 =	vld [tilespmem:s7+$0x0]  }
0x100: {  	s17 =	sor.u32 s22, s8;
	v1 =	vor.u32 v7, v1;
	v4 =	vor.u32 $0xE, v4  }
0x101: {  	v7 =	vand.u32 $0x7, v9;
	v1 =	vand.u32 $0x7, v1;
	v2 =	vand.u32 $0x6, v2;
	v6 =	vld [tilespmem:s17+$0x0]  }
0x102: {  	v9 =	vshll.u32 v1, $0x7;
	v2 =	vor.u32 v2, v7;
	v10 =	vld [tilespmem:s16+$0x80]  }
0x103: {  	v7 =	vor.u32 $0xD, v9;
	v9 =	vshll.u32 v2, $0x7;
	v0 =	vshll.u32 v0, $0x1;
	v8 =	vld.idx.msk [tilespmem:v8+s10+$0x0], $0xffff  }
0x104: {  	v9 =	vor.u32 $0x1, v9;
	v0 =	vor.u32 v5, v0  }
0x105: {  	v4 =	vld.idx.msk [tilespmem:v4+s10+$0x0], $0xffff;
	v0 =	vand.u32 $0x7, v0  }
0x106: {  	v2 =	vshll.u32 v2, $0x1;
	v5 =	vshll.u32 v0, $0x7  }
0x107: {  	[tilespmem:s31+$0x5600] =	vst v3;
	v3 =	vld [tilespmem:s17+$0x0];
	v12 =	vshll.u32 v6, $0x6;
	v2 =	vor.u32 v10, v2;
	v5 =	vor.u32 $0xF, v5  }
0x108: {  	[tilespmem:s16+$0x4400] =	vst v8;
	v8 =	vand.u32 $0xFFFFFF80, v12;
	v10 =	vand.u32 $0x7, v2;
	v12 =	vld [tilespmem:s16+$0x100]  }
0x109: {  	v9 =	vld.idx.msk [tilespmem:v9+s10+$0x0], $0xffff;
	v10 =	vshll.u32 v10, $0x7  }
0x10a: {  	s18 =	sor.u32 $0x1380, s5;
	[tilespmem:s7+$0x4400] =	vst v4;
	v4 =	vor.u32 $0x2, v10  }
0x10b: {  	v10 =	vld [tilespmem:s18+$0x0]  }
0x10c: {  	v6 =	vand.u32 $0x6, v6;
	v3 =	vand.u32 $0x7, v3;
	v5 =	vld.idx.msk [tilespmem:v5+s10+$0x0], $0xffff  }
0x10d: {  	v2 =	vshll.u32 v2, $0x1;
	v3 =	vor.u32 v6, v3;
	v8 =	vld.idx.msk [tilespmem:v8+s10+$0x0], $0xffff  }
0x10e: {  	v13 =	vld [tilespmem:s17+$0x80];
	v6 =	vshll.u32 v3, $0x7;
	v2 =	vor.u32 v12, v2;
	[tilespmem:s16+$0x4480] =	vst v9  }
0x10f: {  	v6 =	vor.u32 $0x1, v6;
	v2 =	vand.u32 $0x7, v2;
	v4 =	vld.idx.msk [tilespmem:v4+s10+$0x0], $0xffff  }
0x110: {  	v11 =	vld [tilespmem:s31+$0x1280];
	v0 =	vshll.u32 v0, $0x1;
	v12 =	vshll.u32 v2, $0x7  }
0x111: {  	v7 =	vld.idx.msk [tilespmem:v7+s10+$0x0], $0xffff;
	v0 =	vor.u32 v10, v0;
	v10 =	vor.u32 $0x3, v12;
	[tilespmem:s18+$0x4400] =	vst v5  }
0x112: {  	s19 =	sand.u32 $0xFFFFFC00, s14;
	v3 =	vshll.u32 v3, $0x1;
	[tilespmem:s17+$0x4400] =	vst v8;
	v5 =	vand.u32 $0x7, v0;
	v8 =	vld [tilespmem:s1+$0x2000]  }
0x113: {  	s19 =	sadd.s32 $0x20, s19;
	v14 =	vld [tilespmem:s17+$0x100];
	v3 =	vor.u32 v13, v3;
	v5 =	vshll.u32 v5, $0x7  }
0x114: {  	v1 =	vshll.u32 v1, $0x1;
	s7 =	sor.u32 $0x180, s19;
	v12 =	vand.u32 $0x7, v3;
	v6 =	vld.idx.msk [tilespmem:v6+s10+$0x0], $0xffff;
	v5 =	vor.u32 $0x10, v5;
	[tilespmem:s16+$0x4500] =	vst v4  }
0x115: {  	v1 =	vor.u32 v11, v1;
	v4 =	vshll.u32 v12, $0x7;
	v11 =	vld [tilespmem:s7+$0x0]  }
0x116: {  	s20 =	sor.u32 $0x1300, s0;
	[tilespmem:s31+$0x5680] =	vst v7;
	v0 =	vshll.u32 v0, $0x1;
	v12 =	vand.u32 $0x7, v1;
	v4 =	vor.u32 $0x2, v4;
	v7 =	vld.idx.msk [tilespmem:v10+s10+$0x0], $0xffff  }
0x117: {  	v3 =	vshll.u32 v3, $0x1;
	v10 =	vshll.u32 v12, $0x7;
	v12 =	vld [tilespmem:s20+$0x0];
	v0 =	vor.u32 v8, v0  }
0x118: {  	v3 =	vor.u32 v14, v3;
	v8 =	vor.u32 $0xE, v10;
	v10 =	vld [tilespmem:s1+$0x2080];
	v0 =	vand.u32 $0x7, v0  }
0x119: {  	v2 =	vshll.u32 v2, $0x1;
	v3 =	vand.u32 $0x7, v3;
	v5 =	vld.idx.msk [tilespmem:v5+s10+$0x0], $0xffff;
	v14 =	vshll.u32 v0, $0x7  }
0x11a: {  	v9 =	vld [tilespmem:s17+$0x180];
	v16 =	vshll.u32 v3, $0x7;
	[tilespmem:s17+$0x4480] =	vst v6;
	v2 =	vor.u32 v11, v2;
	v6 =	vor.u32 $0x11, v14  }
0x11b: {  	v1 =	vshll.u32 v1, $0x1;
	v11 =	vor.u32 $0x3, v16;
	v4 =	vld.idx.msk [tilespmem:v4+s10+$0x0], $0xffff;
	[tilespmem:s7+$0x4400] =	vst v7;
	v7 =	vand.u32 $0x7, v2  }
0x11c: {  	v1 =	vor.u32 v12, v1;
	v0 =	vshll.u32 v0, $0x1;
	v12 =	vld [tilespmem:s16+$0x200];
	v7 =	vshll.u32 v7, $0x7  }
0x11d: {  	v1 =	vand.u32 $0x7, v1;
	v8 =	vld.idx.msk [tilespmem:v8+s10+$0x0], $0xffff;
	v0 =	vor.u32 v10, v0;
	v7 =	vor.u32 $0x4, v7  }
0x11e: {  	v3 =	vshll.u32 v3, $0x1;
	v14 =	vld [tilespmem:s1+$0x2100];
	v10 =	vshll.u32 v1, $0x7;
	[tilespmem:s1+$0x6400] =	vst v5;
	v5 =	vand.u32 $0x7, v0  }
0x11f: {  	v3 =	vor.u32 v9, v3;
	v9 =	vor.u32 $0xF, v10;
	v5 =	vshll.u32 v5, $0x7;
	v6 =	vld.idx.msk [tilespmem:v6+s10+$0x0], $0xffff  }
0x120: {  	v15 =	vld [tilespmem:s17+$0x200];
	v2 =	vshll.u32 v2, $0x1;
	v10 =	vand.u32 $0x7, v3;
	[tilespmem:s17+$0x4500] =	vst v4;
	v4 =	vor.u32 $0x12, v5  }
0x121: {  	v5 =	vshll.u32 v10, $0x7;
	v10 =	vld.idx.msk [tilespmem:v11+s10+$0x0], $0xffff;
	v2 =	vor.u32 v12, v2  }
0x122: {  	s23 =	sor.u32 $0x1380, s0;
	v0 =	vshll.u32 v0, $0x1;
	v5 =	vor.u32 $0x4, v5;
	v2 =	vand.u32 $0x7, v2;
	[tilespmem:s20+$0x4400] =	vst v8;
	v7 =	vld.idx.msk [tilespmem:v7+s10+$0x0], $0xffff  }
0x123: {  	v0 =	vor.u32 v14, v0;
	v11 =	vshll.u32 v2, $0x7;
	v8 =	vld [tilespmem:s23+$0x0]  }
0x124: {  	v3 =	vshll.u32 v3, $0x1;
	v0 =	vand.u32 $0x7, v0;
	v9 =	vld.idx.msk [tilespmem:v9+s10+$0x0], $0xffff;
	[tilespmem:s1+$0x6480] =	vst v6;
	v6 =	vor.u32 $0x5, v11  }
0x125: {  	v3 =	vor.u32 v15, v3;
	v11 =	vshll.u32 v0, $0x7;
	v4 =	vld.idx.msk [tilespmem:v4+s10+$0x0], $0xffff  }
0x126: {  	v13 =	vld [tilespmem:s17+$0x280];
	v3 =	vand.u32 $0x7, v3;
	[tilespmem:s17+$0x4580] =	vst v10;
	v10 =	vor.u32 $0x13, v11  }
0x127: {  	v11 =	vshll.u32 v3, $0x7;
	v5 =	vld.idx.msk [tilespmem:v5+s10+$0x0], $0xffff  }
0x128: {  	v1 =	vshll.u32 v1, $0x1;
	[tilespmem:s16+$0x4600] =	vst v7;
	v7 =	vor.u32 $0x5, v11;
	v11 =	vld [tilespmem:s16+$0x280]  }
0x129: {  	v1 =	vor.u32 v8, v1;
	[tilespmem:s23+$0x4400] =	vst v9;
	v6 =	vld.idx.msk [tilespmem:v6+s10+$0x0], $0xffff  }
0x12a: {  	s24 =	simm.s32 $0x1;
	v8 =	vand.u32 $0x7, v1;
	v9 =	vld [tilespmem:s31+$0x2000];
	[tilespmem:s1+$0x6500] =	vst v4  }
0x12b: {  	s25 =	sor.u32 $0x2180, s4;
	s7 =	sand.u32 $0x3, s24;
	v3 =	vshll.u32 v3, $0x1;
	v4 =	vshll.u32 v8, $0x7;
	v8 =	vld.idx.msk [tilespmem:v10+s10+$0x0], $0xffff  }
0x12c: {  	s7 =	sshll.u32 s7, $0x5;
	v2 =	vshll.u32 v2, $0x1;
	v3 =	vor.u32 v13, v3;
	[tilespmem:s17+$0x4600] =	vst v5;
	v4 =	vor.u32 $0x10, v4;
	v5 =	vld [tilespmem:s25+$0x0]  }
0x12d: {  	s18 =	sadd.s32 $0x100, s7;
	v10 =	vand.u32 $0x7, v3;
	v7 =	vld.idx.msk [tilespmem:v7+s10+$0x0], $0xffff;
	v2 =	vor.u32 v11, v2  }
0x12e: {  	s9 =	sor.u32 $0x300, s18;
	v1 =	vshll.u32 v1, $0x1;
	v10 =	vshll.u32 v10, $0x7;
	v11 =	vand.u32 $0x7, v2;
	[tilespmem:s16+$0x4680] =	vst v6  }
0x12f: {  	v1 =	vor.u32 v9, v1;
	v9 =	vshll.u32 v11, $0x7;
	v6 =	vor.u32 $0x6, v10;
	v10 =	vld [tilespmem:s9+$0x0]  }
0x130: {  	v0 =	vshll.u32 v0, $0x1;
	v11 =	vld [tilespmem:s31+$0x2080];
	v1 =	vand.u32 $0x7, v1;
	v9 =	vor.u32 $0x6, v9  }
0x131: {  	s7 =	sadd.s32 $0x10, s18;
	v12 =	vshll.u32 v1, $0x7;
	v4 =	vld.idx.msk [tilespmem:v4+s10+$0x0], $0xffff;
	v0 =	vor.u32 v5, v0;
	[tilespmem:s25+$0x4400] =	vst v8  }
0x132: {  	s26 =	sor.u32 $0x300, s7;
	v5 =	vor.u32 $0x11, v12;
	[tilespmem:s17+$0x4680] =	vst v7;
	v7 =	vand.u32 $0x7, v0;
	v8 =	vld [tilespmem:s1+$0x2200]  }
0x133: {  	v2 =	vshll.u32 v2, $0x1;
	v12 =	vld [tilespmem:s26+$0x0];
	v7 =	vshll.u32 v7, $0x7  }
0x134: {  	v1 =	vshll.u32 v1, $0x1;
	v6 =	vld.idx.msk [tilespmem:v6+s10+$0x0], $0xffff;
	v7 =	vor.u32 $0x14, v7;
	v2 =	vor.u32 v10, v2  }
0x135: {  	v3 =	vshll.u32 v3, $0x1;
	v1 =	vor.u32 v11, v1;
	v9 =	vld.idx.msk [tilespmem:v9+s10+$0x0], $0xffff;
	v2 =	vand.u32 $0x7, v2  }
0x136: {  	v0 =	vshll.u32 v0, $0x1;
	v10 =	vld [tilespmem:s31+$0x2100];
	[tilespmem:s31+$0x6400] =	vst v4;
	v4 =	vand.u32 $0x7, v1;
	v11 =	vshll.u32 v2, $0x7  }
0x137: {  	v5 =	vld.idx.msk [tilespmem:v5+s10+$0x0], $0xffff;
	v4 =	vshll.u32 v4, $0x7;
	v0 =	vor.u32 v8, v0;
	v11 =	vor.u32 $0x7, v11  }
0x138: {  	v3 =	vor.u32 v12, v3;
	v8 =	vld [tilespmem:s31+$0x2180];
	v4 =	vor.u32 $0x12, v4;
	v0 =	vand.u32 $0x7, v0  }
0x139: {  	s3 =	sor.u32 s15, s14;
	s11 =	sor.u32 $0x380, s7;
	v3 =	vand.u32 $0x7, v3;
	[tilespmem:s26+$0x4400] =	vst v6;
	v6 =	vld.idx.msk [tilespmem:v7+s10+$0x0], $0xffff;
	v7 =	vshll.u32 v0, $0x7  }
0x13a: {  	s6 =	sor.u32 $0x380, s3;
	v12 =	vshll.u32 v3, $0x7;
	[tilespmem:s9+$0x4400] =	vst v9;
	v13 =	vld [tilespmem:s11+$0x0];
	v7 =	vor.u32 $0x15, v7  }
0x13b: {  	v1 =	vshll.u32 v1, $0x1;
	v9 =	vor.u32 $0x7, v12;
	v12 =	vld [tilespmem:s6+$0x0]  }
0x13c: {  	v1 =	vor.u32 v10, v1;
	[tilespmem:s31+$0x6480] =	vst v5;
	v5 =	vld.idx.msk [tilespmem:v11+s10+$0x0], $0xffff  }
0x13d: {  	v1 =	vand.u32 $0x7, v1;
	v4 =	vld.idx.msk [tilespmem:v4+s10+$0x0], $0xffff  }
0x13e: {  	v10 =	vshll.u32 v1, $0x7;
	[tilespmem:s1+$0x6600] =	vst v6;
	v6 =	vld [tilespmem:s1+$0x2280]  }
0x13f: {  	v10 =	vor.u32 $0x13, v10;
	v7 =	vld.idx.msk [tilespmem:v7+s10+$0x0], $0xffff  }
0x140: {  	v9 =	vld.idx.msk [tilespmem:v9+s10+$0x0], $0xffff  }
0x141: {  	v2 =	vshll.u32 v2, $0x1  }
0x142: {  	v3 =	vshll.u32 v3, $0x1;
	v0 =	vshll.u32 v0, $0x1;
	v2 =	vor.u32 v12, v2;
	[tilespmem:s6+$0x4400] =	vst v5  }
0x143: {  	v1 =	vshll.u32 v1, $0x1;
	v5 =	vand.u32 $0x7, v2;
	[tilespmem:s31+$0x6500] =	vst v4;
	v12 =	vld [tilespmem:s16+$0x1000];
	v0 =	vor.u32 v6, v0  }
0x144: {  	s12 =	sor.u32 $0x2300, s2;
	v1 =	vor.u32 v8, v1;
	v5 =	vshll.u32 v5, $0x7;
	v6 =	vld.idx.msk [tilespmem:v10+s10+$0x0], $0xffff;
	v10 =	vand.u32 $0x7, v0;
	[tilespmem:s1+$0x6680] =	vst v7  }
0x145: {  	v3 =	vor.u32 v13, v3;
	v4 =	vor.u32 $0x8, v5;
	[tilespmem:s11+$0x4400] =	vst v9;
	v7 =	vshll.u32 v10, $0x7;
	v9 =	vld [tilespmem:s12+$0x0]  }
0x146: {  	v14 =	vand.u32 $0x7, v3;
	v3 =	vshll.u32 v3, $0x1;
	v8 =	vld [tilespmem:s17+$0x1000];
	v7 =	vor.u32 $0x16, v7  }
0x147: {  	v11 =	vld [tilespmem:s31+$0x2200];
	v2 =	vshll.u32 v2, $0x1;
	v5 =	vshll.u32 v14, $0x7;
	v0 =	vshll.u32 v0, $0x1  }
0x148: {  	v15 =	vld [tilespmem:s16+$0x1080];
	v5 =	vor.u32 $0x8, v5;
	v10 =	vand.u32 $0x7, v1;
	v2 =	vor.u32 v12, v2  }
0x149: {  	v58 =	vld [tilespmem:s16+$0x1100];
	v1 =	vshll.u32 v1, $0x1;
	v10 =	vshll.u32 v10, $0x7;
	v2 =	vand.u32 $0x7, v2  }
0x14a: {  	v10 =	vor.u32 $0x14, v10;
	v4 =	vld.idx.msk [tilespmem:v4+s10+$0x0], $0xffff;
	v12 =	vshll.u32 v2, $0x7;
	v0 =	vor.u32 v9, v0  }
0x14b: {  	v3 =	vor.u32 v8, v3;
	v12 =	vor.u32 $0x9, v12;
	v7 =	vld.idx.msk [tilespmem:v7+s10+$0x0], $0xffff;
	v0 =	vand.u32 $0x7, v0  }
0x14c: {  	v14 =	vld [tilespmem:s17+$0x1080];
	v1 =	vor.u32 v11, v1;
	v3 =	vand.u32 $0x7, v3;
	v9 =	vshll.u32 v0, $0x7  }
0x14d: {  	[tilespmem:s31+$0x6580] =	vst v6;
	v5 =	vld.idx.msk [tilespmem:v5+s10+$0x0], $0xffff;
	v2 =	vshll.u32 v2, $0x1;
	v6 =	vshll.u32 v3, $0x7;
	v9 =	vor.u32 $0x17, v9  }
0x14e: {  	v1 =	vand.u32 $0x7, v1;
	v8 =	vld [tilespmem:s17+$0x1100];
	v2 =	vor.u32 v15, v2;
	v6 =	vor.u32 $0x9, v6  }
0x14f: {  	v57 =	vshll.u32 v1, $0x7;
	v15 =	vand.u32 $0x7, v2;
	[tilespmem:s16+$0x5400] =	vst v4;
	v4 =	vld.idx.msk [tilespmem:v10+s10+$0x0], $0xffff  }
0x150: {  	s5 =	sor.u32 $0x2380, s5;
	v3 =	vshll.u32 v3, $0x1;
	v15 =	vshll.u32 v15, $0x7;
	v10 =	vor.u32 $0x15, v57;
	v12 =	vld.idx.msk [tilespmem:v12+s10+$0x0], $0xffff;
	[tilespmem:s12+$0x4400] =	vst v7  }
0x151: {  	v3 =	vor.u32 v14, v3;
	v7 =	vor.u32 $0xA, v15;
	v14 =	vld [tilespmem:s5+$0x0]  }
0x152: {  	[tilespmem:s17+$0x5400] =	vst v5;
	v9 =	vld.idx.msk [tilespmem:v9+s10+$0x0], $0xffff  }
0x153: {  	v5 =	vand.u32 $0x7, v3;
	v6 =	vld.idx.msk [tilespmem:v6+s10+$0x0], $0xffff  }
0x154: {  	v13 =	vld [tilespmem:s31+$0x2280];
	v2 =	vshll.u32 v2, $0x1;
	v5 =	vshll.u32 v5, $0x7;
	[tilespmem:s31+$0x6600] =	vst v4  }
0x155: {  	v2 =	vor.u32 v58, v2;
	v4 =	vor.u32 $0xA, v5;
	v5 =	vld.idx.msk [tilespmem:v10+s10+$0x0], $0xffff;
	[tilespmem:s16+$0x5480] =	vst v12  }
0x156: {  	v2 =	vand.u32 $0x7, v2;
	v12 =	vshll.u32 v0, $0x1;
	v7 =	vld.idx.msk [tilespmem:v7+s10+$0x0], $0xffff  }
0x157: {  	v11 =	vld [tilespmem:s17+$0x1180];
	v3 =	vshll.u32 v3, $0x1;
	v15 =	vshll.u32 v2, $0x7;
	v12 =	vor.u32 v14, v12;
	[tilespmem:s5+$0x4400] =	vst v9  }
0x158: {  	v3 =	vor.u32 v8, v3;
	v8 =	vor.u32 $0xB, v15;
	v9 =	vand.u32 $0x7, v12;
	[tilespmem:s17+$0x5480] =	vst v6;
	v6 =	vld [tilespmem:s1+$0x3000]  }
0x159: {  	v1 =	vshll.u32 v1, $0x1;
	v10 =	vld [tilespmem:s17+$0x1200];
	v9 =	vshll.u32 v9, $0x7  }
0x15a: {  	s13 =	sor.u32 $0x2300, s0;
	v1 =	vor.u32 v13, v1;
	v3 =	vand.u32 $0x7, v3;
	v4 =	vld.idx.msk [tilespmem:v4+s10+$0x0], $0xffff;
	[tilespmem:s31+$0x6680] =	vst v5;
	v9 =	vor.u32 $0x18, v9  }
0x15b: {  	s14 =	sor.u32 $0x1180, s19;
	v2 =	vshll.u32 v2, $0x1;
	v13 =	vshll.u32 v3, $0x7;
	v5 =	vand.u32 $0x7, v1;
	v14 =	vld [tilespmem:s13+$0x0];
	[tilespmem:s16+$0x5500] =	vst v7  }
0x15c: {  	v13 =	vor.u32 $0xB, v13;
	v5 =	vshll.u32 v5, $0x7;
	v7 =	vshll.u32 v12, $0x1;
	v12 =	vld [tilespmem:s14+$0x0]  }
0x15d: {  	v3 =	vshll.u32 v3, $0x1;
	v5 =	vor.u32 $0x16, v5;
	v8 =	vld.idx.msk [tilespmem:v8+s10+$0x0], $0xffff;
	v6 =	vor.u32 v6, v7  }
0x15e: {  	v3 =	vor.u32 v11, v3;
	v11 =	vld [tilespmem:s1+$0x3080];
	v1 =	vshll.u32 v1, $0x1;
	v6 =	vand.u32 $0x7, v6  }
0x15f: {  	v7 =	vand.u32 $0x7, v3;
	[tilespmem:s17+$0x5500] =	vst v4;
	v3 =	vshll.u32 v3, $0x1;
	v9 =	vld.idx.msk [tilespmem:v9+s10+$0x0], $0xffff;
	v4 =	vshll.u32 v6, $0x7  }
0x160: {  	v7 =	vshll.u32 v7, $0x7;
	v1 =	vor.u32 v14, v1;
	v4 =	vor.u32 $0x19, v4  }
0x161: {  	v13 =	vld.idx.msk [tilespmem:v13+s10+$0x0], $0xffff;
	v7 =	vor.u32 $0xC, v7;
	v1 =	vand.u32 $0x7, v1;
	v2 =	vor.u32 v12, v2  }
0x162: {  	v6 =	vshll.u32 v6, $0x1;
	v5 =	vld.idx.msk [tilespmem:v5+s10+$0x0], $0xffff;
	v14 =	vshll.u32 v1, $0x7;
	[tilespmem:s14+$0x4400] =	vst v8;
	v12 =	vand.u32 $0x7, v2  }
0x163: {  	v6 =	vor.u32 v11, v6;
	v8 =	vor.u32 $0x17, v14;
	v14 =	vld [tilespmem:s16+$0x1200];
	v11 =	vshll.u32 v12, $0x7  }
0x164: {  	v3 =	vor.u32 v10, v3;
	[tilespmem:s1+$0x7400] =	vst v9;
	v9 =	vand.u32 $0x7, v6;
	v10 =	vor.u32 $0xC, v11;
	v11 =	vld [tilespmem:s1+$0x3100]  }
0x165: {  	v9 =	vshll.u32 v9, $0x7;
	v4 =	vld.idx.msk [tilespmem:v4+s10+$0x0], $0xffff  }
0x166: {  	[tilespmem:s17+$0x5580] =	vst v13;
	v9 =	vor.u32 $0x1A, v9  }
0x167: {  	v3 =	vand.u32 $0x7, v3;
	v7 =	vld.idx.msk [tilespmem:v7+s10+$0x0], $0xffff  }
0x168: {  	v0 =	vld [tilespmem:s17+$0x1280];
	v2 =	vshll.u32 v2, $0x1;
	v12 =	vshll.u32 v3, $0x7;
	[tilespmem:s13+$0x4400] =	vst v5  }
0x169: {  	s6 =	simm.s32 $0x40;
	s5 =	simm.s32 $0x200;
	v6 =	vshll.u32 v6, $0x1;
	v5 =	vor.u32 $0xD, v12;
	v8 =	vld.idx.msk [tilespmem:v8+s10+$0x0], $0xffff;
	v2 =	vor.u32 v14, v2  }
0x16a: {  	s20 =	sand.u32 $0x60, s6;
	s24 =	sand.u32 $0xC00, s5;
	v2 =	vand.u32 $0x7, v2;
	v10 =	vld.idx.msk [tilespmem:v10+s10+$0x0], $0xffff;
	v6 =	vor.u32 v11, v6;
	[tilespmem:s1+$0x7480] =	vst v4  }
0x16b: {  	s23 =	sor.u32 s20, s24;
	v4 =	vshll.u32 v2, $0x7;
	v6 =	vand.u32 $0x7, v6;
	v9 =	vld.idx.msk [tilespmem:v9+s10+$0x0], $0xffff  }
0x16c: {  	s15 =	sor.u32 $0x2380, s0;
	v12 =	vld [tilespmem:s23+$0x0];
	[tilespmem:s17+$0x5600] =	vst v7;
	v4 =	vor.u32 $0xD, v4;
	v7 =	vshll.u32 v6, $0x7  }
0x16d: {  	v11 =	vld [tilespmem:s15+$0x0];
	v7 =	vor.u32 $0x1B, v7  }
0x16e: {  	v5 =	vld.idx.msk [tilespmem:v5+s10+$0x0], $0xffff;
	[tilespmem:s15+$0x4400] =	vst v8  }
0x16f: {  	v8 =	vld [tilespmem:s31+$0x3000];
	[tilespmem:s16+$0x5600] =	vst v10  }
0x170: {  	v10 =	vld [tilespmem:s16+$0x1280];
	[tilespmem:s1+$0x7500] =	vst v9  }
0x171: {  	v4 =	vld.idx.msk [tilespmem:v4+s10+$0x0], $0xffff;
	[dreg:$0x6] =	wrdreg s20  }
0x172: {  	s25 =	sor.u32 $0x10, s20;
	v7 =	vld.idx.msk [tilespmem:v7+s10+$0x0], $0xffff;
	[dreg:$0x5] =	wrdreg s24  }
0x173: {  	s4 =	sor.u32 $0x3180, s4;
	[dreg:$0x7] =	wrdreg s25  }
0x174: {  	s24 =	sor.u32 s24, s25;
	v9 =	vld [tilespmem:s4+$0x0]  }
0x175: {  	v13 =	vld [tilespmem:s24+$0x0]  }
0x176: {  	v2 =	vshll.u32 v2, $0x1;
	v14 =	vshll.u32 v12, $0x6;
	v15 =	vld [tilespmem:s23+$0x0]  }
0x177: {  	v2 =	vor.u32 v10, v2;
	v10 =	vand.u32 $0xFFFFFF80, v14;
	v14 =	vld [tilespmem:s24+$0x0]  }
0x178: {  	v17 =	vld [tilespmem:s24+$0x80]  }
0x179: {  	v20 =	vld [tilespmem:s23+$0x80]  }
0x17a: {  	v62 =	vld [tilespmem:s24+$0x180]  }
0x17b: {  	v24 =	vld [tilespmem:s23+$0x100]  }
0x17c: {  	s26 =	sor.u32 $0x1300, s18;
	v1 =	vshll.u32 v1, $0x1;
	v29 =	vld [tilespmem:s24+$0x280];
	v59 =	vand.u32 $0x7, v2;
	[tilespmem:s16+$0x5680] =	vst v4  }
0x17d: {  	v3 =	vshll.u32 v3, $0x1;
	v6 =	vshll.u32 v6, $0x1;
	v4 =	vshll.u32 v59, $0x7;
	v60 =	vld [tilespmem:s26+$0x0]  }
0x17e: {  	v0 =	vor.u32 v0, v3;
	v44 =	vld [tilespmem:s31+$0x3100];
	v4 =	vor.u32 $0xE, v4;
	[tilespmem:s4+$0x4400] =	vst v7;
	v6 =	vor.u32 v9, v6  }
0x17f: {  	v12 =	vand.u32 $0x6, v12;
	v2 =	vshll.u32 v2, $0x1;
	v18 =	vld [tilespmem:s1+$0x3200];
	v7 =	vand.u32 $0x7, v6  }
0x180: {  	v53 =	vld [tilespmem:s31+$0x3200];
	v15 =	vand.u32 $0x7, v15;
	v19 =	vshll.u32 v13, $0x6;
	v7 =	vshll.u32 v7, $0x7  }
0x181: {  	s9 =	sor.u32 $0x1300, s7;
	[tilespmem:s17+$0x5680] =	vst v5;
	v10 =	vld.idx.msk [tilespmem:v10+s10+$0x0], $0xffff;
	v13 =	vand.u32 $0x6, v13;
	v12 =	vor.u32 v12, v15;
	v7 =	vor.u32 $0x1C, v7  }
0x182: {  	v31 =	vld [tilespmem:s9+$0x0];
	v15 =	vand.u32 $0xFFFFFF80, v19;
	v61 =	vshll.u32 v12, $0x7;
	v2 =	vor.u32 v60, v2  }
0x183: {  	v6 =	vshll.u32 v6, $0x1;
	v19 =	vor.u32 $0x1, v61;
	v4 =	vld.idx.msk [tilespmem:v4+s10+$0x0], $0xffff;
	v21 =	vand.u32 $0x7, v2  }
0x184: {  	v9 =	vld [tilespmem:s24+$0x100];
	v14 =	vand.u32 $0x7, v14;
	v22 =	vshll.u32 v21, $0x7;
	v6 =	vor.u32 v18, v6  }
0x185: {  	v12 =	vshll.u32 v12, $0x1;
	v2 =	vld [tilespmem:s24+$0x200];
	v63 =	vor.u32 $0xF, v22;
	v6 =	vand.u32 $0x7, v6  }
0x186: {  	v13 =	vor.u32 v13, v14;
	[tilespmem:s23+$0x4400] =	vst v10;
	v10 =	vor.u32 v20, v12;
	v14 =	vshll.u32 v6, $0x7;
	v7 =	vld.idx.msk [tilespmem:v7+s10+$0x0], $0xffff  }
0x187: {  	v12 =	vld.idx.msk [tilespmem:v15+s10+$0x0], $0xffff;
	v15 =	vshll.u32 v13, $0x7;
	v20 =	vand.u32 $0x7, v10;
	v14 =	vor.u32 $0x1D, v14  }
0x188: {  	s8 =	sor.u32 $0x1380, s3;
	v3 =	vor.u32 $0x1, v15;
	v15 =	vshll.u32 v20, $0x7;
	v19 =	vld.idx.msk [tilespmem:v19+s10+$0x0], $0xffff;
	[tilespmem:s26+$0x4400] =	vst v4;
	v4 =	vand.u32 $0x7, v0  }
0x189: {  	v1 =	vor.u32 v11, v1;
	v15 =	vor.u32 $0x2, v15;
	v25 =	vld [tilespmem:s8+$0x0];
	v4 =	vshll.u32 v4, $0x7  }
0x18a: {  	v26 =	vand.u32 $0x7, v1;
	v13 =	vshll.u32 v13, $0x1;
	v4 =	vor.u32 $0xE, v4;
	v11 =	vld.idx.msk [tilespmem:v63+s10+$0x0], $0xffff  }
0x18b: {  	v1 =	vshll.u32 v1, $0x1;
	v10 =	vshll.u32 v10, $0x1;
	v13 =	vor.u32 v17, v13;
	[tilespmem:s1+$0x7600] =	vst v7;
	v7 =	vld [tilespmem:s1+$0x3280]  }
0x18c: {  	v28 =	vshll.u32 v21, $0x1;
	v10 =	vor.u32 v24, v10;
	v27 =	vand.u32 $0x7, v13;
	[tilespmem:s24+$0x4400] =	vst v12;
	v12 =	vld.idx.msk [tilespmem:v14+s10+$0x0], $0xffff  }
0x18d: {  	v6 =	vshll.u32 v6, $0x1;
	v0 =	vshll.u32 v0, $0x1;
	v17 =	vshll.u32 v27, $0x7;
	v3 =	vld.idx.msk [tilespmem:v3+s10+$0x0], $0xffff;
	[tilespmem:s23+$0x4480] =	vst v19  }
0x18e: {  	v10 =	vand.u32 $0x7, v10;
	v5 =	vor.u32 $0x2, v17;
	v15 =	vld.idx.msk [tilespmem:v15+s10+$0x0], $0xffff;
	v18 =	vor.u32 v25, v28  }
0x18f: {  	v30 =	vshll.u32 v10, $0x7;
	v0 =	vor.u32 v31, v0;
	v4 =	vld.idx.msk [tilespmem:v4+s10+$0x0], $0xffff;
	[tilespmem:s8+$0x4400] =	vst v11;
	v11 =	vand.u32 $0x7, v18  }
0x190: {  	v19 =	vor.u32 $0x3, v30;
	v14 =	vshll.u32 v26, $0x7;
	v11 =	vshll.u32 v11, $0x7;
	v32 =	vld [tilespmem:s16+$0x2000]  }
0x191: {  	s2 =	sor.u32 $0x3300, s2;
	s11 =	sand.u32 $0xFFFFFC00, s5;
	v33 =	vld [tilespmem:s16+$0x2080];
	v6 =	vor.u32 v7, v6;
	v7 =	vshll.u32 v13, $0x1;
	v11 =	vor.u32 $0x10, v11;
	[tilespmem:s1+$0x7680] =	vst v12  }
0x192: {  	s25 =	sadd.s32 $0x40, s11;
	[tilespmem:s24+$0x4480] =	vst v3;
	v13 =	vor.u32 $0x18, v14;
	v12 =	vand.u32 $0x7, v6;
	v7 =	vor.u32 v9, v7;
	v9 =	vld [tilespmem:s2+$0x0]  }
0x193: {  	v1 =	vor.u32 v8, v1;
	s12 =	sor.u32 $0x180, s25;
	v0 =	vand.u32 $0x7, v0;
	v5 =	vld.idx.msk [tilespmem:v5+s10+$0x0], $0xffff;
	[tilespmem:s23+$0x4500] =	vst v15;
	v3 =	vshll.u32 v12, $0x7  }
0x194: {  	v6 =	vshll.u32 v6, $0x8;
	v7 =	vand.u32 $0x7, v7;
	v14 =	vld [tilespmem:s12+$0x0];
	v3 =	vor.u32 $0x1E, v3  }
0x195: {  	v12 =	vshll.u32 v18, $0x1;
	v15 =	vld.idx.msk [tilespmem:v19+s10+$0x0], $0xffff;
	v8 =	vshll.u32 v7, $0x7;
	v7 =	vshll.u32 v7, $0x1  }
0x196: {  	v8 =	vor.u32 $0x3, v8;
	v7 =	vor.u32 v62, v7;
	v12 =	vor.u32 v32, v12;
	v11 =	vld.idx.msk [tilespmem:v11+s10+$0x0], $0xffff  }
0x197: {  	v16 =	vand.u32 $0x7, v7;
	v12 =	vand.u32 $0x7, v12;
	v13 =	vld.idx.msk [tilespmem:v13+s10+$0x0], $0xffff;
	v9 =	vshll.u32 v9, $0x7  }
0x198: {  	v35 =	vld [tilespmem:s16+$0x2100];
	[tilespmem:s9+$0x4400] =	vst v4;
	v34 =	vshll.u32 v12, $0x7;
	v4 =	vor.u32 v6, v9;
	v6 =	vshll.u32 v10, $0x1  }
0x199: {  	s13 =	sor.u32 $0x1380, s7;
	[tilespmem:s24+$0x4500] =	vst v5;
	v3 =	vld.idx.msk [tilespmem:v3+s10+$0x0], $0xffff;
	v9 =	vor.u32 $0x11, v34;
	v10 =	vshll.u32 v0, $0x7;
	v6 =	vor.u32 v14, v6  }
0x19a: {  	v5 =	vld [tilespmem:s13+$0x0];
	[tilespmem:s12+$0x4400] =	vst v15;
	v4 =	vand.u32 $0x380, v4;
	v10 =	vor.u32 $0xF, v10;
	v14 =	vand.u32 $0x7, v6  }
0x19b: {  	v12 =	vshll.u32 v12, $0x1;
	v15 =	vld [tilespmem:s23+$0x200];
	v4 =	vor.u32 $0x1F, v4;
	[tilespmem:s16+$0x6400] =	vst v11;
	v14 =	vshll.u32 v14, $0x7  }
0x19c: {  	v16 =	vshll.u32 v16, $0x7;
	v8 =	vld.idx.msk [tilespmem:v8+s10+$0x0], $0xffff;
	v11 =	vor.u32 v33, v12;
	[tilespmem:s31+$0x7400] =	vst v13;
	v12 =	vor.u32 $0x4, v14  }
0x19d: {  	v16 =	vor.u32 $0x4, v16;
	v58 =	vld [tilespmem:s31+$0x3280];
	v14 =	vand.u32 $0x7, v1;
	v1 =	vand.u32 $0x7, v11  }
0x19e: {  	v9 =	vld.idx.msk [tilespmem:v9+s10+$0x0], $0xffff;
	v1 =	vshll.u32 v1, $0x7;
	[tilespmem:s2+$0x4400] =	vst v3;
	v3 =	vshll.u32 v7, $0x1  }
0x19f: {  	v36 =	vshll.u32 v14, $0x7;
	v7 =	vor.u32 $0x12, v1;
	v2 =	vor.u32 v2, v3;
	v3 =	vld.idx.msk [tilespmem:v10+s10+$0x0], $0xffff  }
0x1a0: {  	v1 =	vld.idx.msk [tilespmem:v4+s10+$0x0], $0xffff;
	v4 =	vshll.u32 v6, $0x1;
	v6 =	vor.u32 $0x19, v36  }
0x1a1: {  	v0 =	vshll.u32 v0, $0x1;
	[tilespmem:s24+$0x4580] =	vst v8;
	v4 =	vor.u32 v15, v4;
	v8 =	vld.idx.msk [tilespmem:v12+s10+$0x0], $0xffff  }
0x1a2: {  	v0 =	vor.u32 v5, v0;
	v4 =	vand.u32 $0x7, v4;
	v12 =	vld.idx.msk [tilespmem:v16+s10+$0x0], $0xffff  }
0x1a3: {  	v10 =	vshll.u32 v11, $0x1;
	v2 =	vand.u32 $0x7, v2;
	v15 =	vshll.u32 v4, $0x7;
	[tilespmem:s16+$0x6480] =	vst v9;
	v9 =	vld [tilespmem:s31+$0x3080]  }
0x1a4: {  	v10 =	vor.u32 v35, v10;
	v11 =	vshll.u32 v2, $0x7;
	v15 =	vor.u32 $0x5, v15;
	v5 =	vld.idx.msk [tilespmem:v7+s10+$0x0], $0xffff  }
0x1a5: {  	v13 =	vand.u32 $0x7, v0;
	v10 =	vand.u32 $0x7, v10;
	v11 =	vor.u32 $0x5, v11;
	[tilespmem:s13+$0x4400] =	vst v3;
	v6 =	vld.idx.msk [tilespmem:v6+s10+$0x0], $0xffff  }
0x1a6: {  	v7 =	vshll.u32 v10, $0x7;
	v3 =	vshll.u32 v13, $0x7;
	v13 =	vld [tilespmem:s17+$0x2000]  }
0x1a7: {  	v7 =	vor.u32 $0x13, v7;
	v37 =	vld [tilespmem:s17+$0x2080]  }
0x1a8: {  	v2 =	vshll.u32 v2, $0x1;
	v3 =	vor.u32 $0x10, v3;
	[tilespmem:s23+$0x4600] =	vst v8;
	v8 =	vld [tilespmem:s23+$0x280]  }
0x1a9: {  	v2 =	vor.u32 v29, v2;
	[tilespmem:s24+$0x4600] =	vst v12;
	v12 =	vld.idx.msk [tilespmem:v15+s10+$0x0], $0xffff  }
0x1aa: {  	s14 =	sor.u32 $0x2180, s19;
	s1 =	simm.s32 $0x2;
	v0 =	vshll.u32 v0, $0x1;
	v11 =	vld.idx.msk [tilespmem:v11+s10+$0x0], $0xffff;
	[tilespmem:s16+$0x6500] =	vst v5;
	v5 =	vand.u32 $0x7, v2  }
0x1ab: {  	s15 =	sand.u32 $0x3, s1;
	v5 =	vshll.u32 v5, $0x7;
	v15 =	vld [tilespmem:s14+$0x0];
	v0 =	vor.u32 v13, v0  }
0x1ac: {  	s4 =	sshll.u32 s15, $0x5;
	v4 =	vshll.u32 v4, $0x1;
	v7 =	vld.idx.msk [tilespmem:v7+s10+$0x0], $0xffff;
	v5 =	vor.u32 $0x6, v5;
	v0 =	vand.u32 $0x7, v0  }
0x1ad: {  	s26 =	sadd.s32 $0x200, s4;
	v3 =	vld.idx.msk [tilespmem:v3+s10+$0x0], $0xffff;
	v4 =	vor.u32 v8, v4;
	v13 =	vshll.u32 v0, $0x7  }
0x1ae: {  	s20 =	sor.u32 $0x300, s26;
	s4 =	sadd.s32 $0x10, s26;
	v8 =	vand.u32 $0x7, v4;
	[tilespmem:s23+$0x4680] =	vst v12;
	v12 =	vor.u32 $0x11, v13;
	v13 =	vld [tilespmem:s17+$0x2100]  }
0x1af: {  	s11 =	sor.u32 $0x300, s4;
	v10 =	vshll.u32 v10, $0x1;
	[tilespmem:s24+$0x4680] =	vst v11;
	v8 =	vshll.u32 v8, $0x7;
	v38 =	vld [tilespmem:s20+$0x0]  }
0x1b0: {  	v11 =	vld [tilespmem:s11+$0x0];
	v8 =	vor.u32 $0x6, v8;
	v10 =	vor.u32 v15, v10  }
0x1b1: {  	v2 =	vshll.u32 v2, $0x1;
	v0 =	vshll.u32 v0, $0x1;
	[tilespmem:s14+$0x4400] =	vst v7;
	v5 =	vld.idx.msk [tilespmem:v5+s10+$0x0], $0xffff;
	v7 =	vand.u32 $0x7, v10  }
0x1b2: {  	[tilespmem:s17+$0x6400] =	vst v3;
	v3 =	vor.u32 v37, v0;
	v0 =	vshll.u32 v4, $0x1;
	v15 =	vld [tilespmem:s16+$0x2200];
	v7 =	vshll.u32 v7, $0x7  }
0x1b3: {  	v10 =	vshll.u32 v10, $0x1;
	v4 =	vor.u32 $0x14, v7;
	v7 =	vld.idx.msk [tilespmem:v12+s10+$0x0], $0xffff;
	v12 =	vand.u32 $0x7, v3  }
0x1b4: {  	v41 =	vld [tilespmem:s17+$0x2200];
	v3 =	vshll.u32 v3, $0x1;
	v0 =	vor.u32 v38, v0;
	v12 =	vshll.u32 v12, $0x7  }
0x1b5: {  	v8 =	vld.idx.msk [tilespmem:v8+s10+$0x0], $0xffff;
	v39 =	vand.u32 $0x7, v0;
	v0 =	vor.u32 v11, v2;
	v2 =	vor.u32 $0x12, v12  }
0x1b6: {  	v43 =	vld [tilespmem:s16+$0x2280];
	v3 =	vor.u32 v13, v3;
	[tilespmem:s11+$0x4400] =	vst v5;
	v5 =	vshll.u32 v14, $0x1;
	v12 =	vshll.u32 v39, $0x7  }
0x1b7: {  	s12 =	sor.u32 $0x380, s4;
	v11 =	vld [tilespmem:s17+$0x2180];
	v10 =	vor.u32 v15, v10;
	v40 =	vand.u32 $0x7, v0;
	v12 =	vor.u32 $0x7, v12  }
0x1b8: {  	v5 =	vor.u32 v9, v5;
	v9 =	vand.u32 $0x7, v10;
	v10 =	vld [tilespmem:s12+$0x0];
	v42 =	vshll.u32 v40, $0x7  }
0x1b9: {  	s2 =	sor.u32 s6, s5;
	v4 =	vld.idx.msk [tilespmem:v4+s10+$0x0], $0xffff;
	v15 =	vshll.u32 v9, $0x7;
	v14 =	vor.u32 $0x7, v42;
	[tilespmem:s17+$0x6480] =	vst v7;
	v7 =	vand.u32 $0x7, v5  }
0x1ba: {  	s5 =	sor.u32 $0x380, s2;
	v3 =	vand.u32 $0x7, v3;
	[tilespmem:s20+$0x4400] =	vst v8;
	v7 =	vshll.u32 v7, $0x7;
	v8 =	vor.u32 $0x15, v15;
	v2 =	vld.idx.msk [tilespmem:v2+s10+$0x0], $0xffff  }
0x1bb: {  	v15 =	vshll.u32 v3, $0x7;
	v13 =	vld [tilespmem:s5+$0x0];
	v7 =	vor.u32 $0x1A, v7  }
0x1bc: {  	v15 =	vor.u32 $0x13, v15;
	v12 =	vld.idx.msk [tilespmem:v12+s10+$0x0], $0xffff  }
0x1bd: {  	v0 =	vld [tilespmem:s17+$0x2280]  }
0x1be: {  	[tilespmem:s16+$0x6600] =	vst v4;
	v4 =	vshll.u32 v40, $0x1;
	v14 =	vld.idx.msk [tilespmem:v14+s10+$0x0], $0xffff  }
0x1bf: {  	[tilespmem:s31+$0x7480] =	vst v6;
	v4 =	vor.u32 v10, v4;
	v8 =	vld.idx.msk [tilespmem:v8+s10+$0x0], $0xffff  }
0x1c0: {  	v9 =	vshll.u32 v9, $0x1;
	v10 =	vshll.u32 v39, $0x1;
	v6 =	vand.u32 $0x7, v4;
	[tilespmem:s17+$0x6500] =	vst v2;
	v2 =	vld.idx.msk [tilespmem:v7+s10+$0x0], $0xffff  }
0x1c1: {  	v9 =	vor.u32 v43, v9;
	v6 =	vshll.u32 v6, $0x7;
	v7 =	vor.u32 v13, v10;
	v10 =	vld.idx.msk [tilespmem:v15+s10+$0x0], $0xffff;
	[tilespmem:s5+$0x4400] =	vst v12  }
0x1c2: {  	v5 =	vshll.u32 v5, $0x1;
	v6 =	vor.u32 $0x8, v6;
	v12 =	vand.u32 $0x7, v7;
	v13 =	vld [tilespmem:s23+$0x1000]  }
0x1c3: {  	v3 =	vshll.u32 v3, $0x1;
	v15 =	vand.u32 $0x7, v9;
	v12 =	vshll.u32 v12, $0x7;
	[tilespmem:s12+$0x4400] =	vst v14;
	v48 =	vld [tilespmem:s23+$0x1080]  }
0x1c4: {  	s13 =	sor.u32 $0x2300, s18;
	v3 =	vor.u32 v11, v3;
	v12 =	vor.u32 $0x8, v12;
	v14 =	vld [tilespmem:s24+$0x1000];
	[tilespmem:s16+$0x6680] =	vst v8;
	v8 =	vshll.u32 v15, $0x7  }
0x1c5: {  	v5 =	vor.u32 v44, v5;
	v11 =	vand.u32 $0x7, v3;
	v8 =	vor.u32 $0x16, v8;
	v15 =	vld [tilespmem:s13+$0x0]  }
0x1c6: {  	v5 =	vand.u32 $0x7, v5;
	v11 =	vshll.u32 v11, $0x7;
	v7 =	vshll.u32 v7, $0x1;
	v51 =	vld [tilespmem:s23+$0x1100]  }
0x1c7: {  	v46 =	vshll.u32 v5, $0x7;
	v11 =	vor.u32 $0x14, v11;
	v6 =	vld.idx.msk [tilespmem:v6+s10+$0x0], $0xffff;
	v7 =	vor.u32 v13, v7  }
0x1c8: {  	v3 =	vshll.u32 v3, $0x1;
	v4 =	vshll.u32 v4, $0x1;
	v45 =	vld [tilespmem:s24+$0x1080];
	v7 =	vand.u32 $0x7, v7  }
0x1c9: {  	v9 =	vshll.u32 v9, $0x1;
	v12 =	vld.idx.msk [tilespmem:v12+s10+$0x0], $0xffff;
	v4 =	vor.u32 v14, v4;
	v47 =	vshll.u32 v7, $0x7  }
0x1ca: {  	v8 =	vld.idx.msk [tilespmem:v8+s10+$0x0], $0xffff;
	v9 =	vor.u32 v15, v9;
	v4 =	vand.u32 $0x7, v4;
	v19 =	vor.u32 $0x9, v47  }
0x1cb: {  	v3 =	vor.u32 v41, v3;
	v49 =	vld [tilespmem:s24+$0x1200];
	[tilespmem:s17+$0x6580] =	vst v10;
	v9 =	vand.u32 $0x7, v9;
	v10 =	vshll.u32 v4, $0x7  }
0x1cc: {  	v11 =	vld.idx.msk [tilespmem:v11+s10+$0x0], $0xffff;
	v7 =	vshll.u32 v7, $0x1;
	[tilespmem:s24+$0x5400] =	vst v6;
	v6 =	vshll.u32 v9, $0x7;
	v10 =	vor.u32 $0x9, v10  }
0x1cd: {  	v3 =	vand.u32 $0x7, v3;
	v15 =	vld [tilespmem:s31+$0x3180];
	v7 =	vor.u32 v48, v7;
	v6 =	vor.u32 $0x17, v6  }
0x1ce: {  	v50 =	vshll.u32 v3, $0x7;
	v13 =	vld [tilespmem:s24+$0x1100];
	v20 =	vand.u32 $0x7, v7;
	[tilespmem:s23+$0x5400] =	vst v12;
	v12 =	vor.u32 $0x1B, v46  }
0x1cf: {  	s3 =	sor.u32 $0x2380, s3;
	v3 =	vshll.u32 v3, $0x1;
	v17 =	vor.u32 $0x15, v50;
	v20 =	vshll.u32 v20, $0x7;
	[tilespmem:s13+$0x4400] =	vst v8;
	v19 =	vld.idx.msk [tilespmem:v19+s10+$0x0], $0xffff  }
0x1d0: {  	v0 =	vor.u32 v0, v3;
	v4 =	vshll.u32 v4, $0x1;
	v8 =	vor.u32 $0xA, v20;
	v52 =	vld [tilespmem:s3+$0x0]  }
0x1d1: {  	v5 =	vshll.u32 v5, $0x1;
	v54 =	vand.u32 $0x7, v0;
	v4 =	vor.u32 v45, v4;
	v10 =	vld.idx.msk [tilespmem:v10+s10+$0x0], $0xffff  }
0x1d2: {  	[tilespmem:s31+$0x7500] =	vst v2;
	v7 =	vshll.u32 v7, $0x1;
	v2 =	vor.u32 v15, v5;
	v5 =	vand.u32 $0x7, v4;
	v6 =	vld.idx.msk [tilespmem:v6+s10+$0x0], $0xffff  }
0x1d3: {  	[tilespmem:s17+$0x6600] =	vst v11;
	v7 =	vor.u32 v51, v7;
	v15 =	vand.u32 $0x7, v2;
	v5 =	vshll.u32 v5, $0x7;
	v11 =	vld.idx.msk [tilespmem:v12+s10+$0x0], $0xffff  }
0x1d4: {  	v7 =	vand.u32 $0x7, v7;
	v5 =	vor.u32 $0xA, v5;
	v12 =	vshll.u32 v15, $0x7;
	v15 =	vld.idx.msk [tilespmem:v17+s10+$0x0], $0xffff;
	[tilespmem:s23+$0x5480] =	vst v19  }
0x1d5: {  	v0 =	vshll.u32 v0, $0x1;
	v9 =	vshll.u32 v9, $0x1;
	v3 =	vshll.u32 v7, $0x7;
	v8 =	vld.idx.msk [tilespmem:v8+s10+$0x0], $0xffff  }
0x1d6: {  	v14 =	vld [tilespmem:s24+$0x1180];
	v4 =	vshll.u32 v4, $0x1;
	v7 =	vshll.u32 v7, $0x1;
	v12 =	vor.u32 $0x1C, v12;
	[tilespmem:s24+$0x5480] =	vst v10  }
0x1d7: {  	v55 =	vld [tilespmem:s24+$0x1280];
	v3 =	vor.u32 $0xB, v3;
	v4 =	vor.u32 v13, v4;
	v9 =	vor.u32 v52, v9;
	[tilespmem:s3+$0x4400] =	vst v6  }
0x1d8: {  	v2 =	vshll.u32 v2, $0x1;
	v4 =	vand.u32 $0x7, v4;
	v6 =	vand.u32 $0x7, v9;
	v10 =	vld [tilespmem:s16+$0x3000];
	[tilespmem:s31+$0x7580] =	vst v11  }
0x1d9: {  	s14 =	sor.u32 $0x2300, s7;
	v2 =	vor.u32 v53, v2;
	v13 =	vshll.u32 v4, $0x7;
	v5 =	vld.idx.msk [tilespmem:v5+s10+$0x0], $0xffff;
	v6 =	vshll.u32 v6, $0x7;
	[tilespmem:s17+$0x6680] =	vst v15  }
0x1da: {  	v4 =	vshll.u32 v4, $0x1;
	v2 =	vand.u32 $0x7, v2;
	v6 =	vor.u32 $0x18, v6;
	[tilespmem:s23+$0x5500] =	vst v8;
	v8 =	vld [tilespmem:s14+$0x0]  }
0x1db: {  	v17 =	vshll.u32 v54, $0x7;
	v13 =	vor.u32 $0xB, v13;
	v4 =	vor.u32 v14, v4;
	v12 =	vld.idx.msk [tilespmem:v12+s10+$0x0], $0xffff  }
0x1dc: {  	s15 =	sor.u32 $0x1180, s25;
	v9 =	vshll.u32 v9, $0x1;
	v11 =	vor.u32 $0x16, v17;
	v15 =	vand.u32 $0x7, v4;
	v3 =	vld.idx.msk [tilespmem:v3+s10+$0x0], $0xffff  }
0x1dd: {  	v4 =	vshll.u32 v4, $0x1;
	v14 =	vld [tilespmem:s15+$0x0];
	v9 =	vor.u32 v10, v9;
	v10 =	vshll.u32 v2, $0x7  }
0x1de: {  	v57 =	vld [tilespmem:s16+$0x3080];
	v15 =	vshll.u32 v15, $0x7;
	v9 =	vand.u32 $0x7, v9;
	v10 =	vor.u32 $0x1D, v10  }
0x1df: {  	v4 =	vor.u32 v49, v4;
	[tilespmem:s24+$0x5500] =	vst v5;
	v6 =	vld.idx.msk [tilespmem:v6+s10+$0x0], $0xffff;
	v56 =	vshll.u32 v9, $0x7;
	v0 =	vor.u32 v8, v0  }
0x1e0: {  	v13 =	vld.idx.msk [tilespmem:v13+s10+$0x0], $0xffff;
	v5 =	vor.u32 $0x19, v56;
	v8 =	vor.u32 $0xC, v15;
	v15 =	vand.u32 $0x7, v0  }
0x1e1: {  	v4 =	vand.u32 $0x7, v4;
	v11 =	vld.idx.msk [tilespmem:v11+s10+$0x0], $0xffff;
	v2 =	vshll.u32 v2, $0x1;
	[tilespmem:s31+$0x7600] =	vst v12;
	v12 =	vshll.u32 v15, $0x7  }
0x1e2: {  	v61 =	vld [tilespmem:s16+$0x3100];
	[tilespmem:s15+$0x4400] =	vst v3;
	v7 =	vor.u32 v14, v7;
	v3 =	vshll.u32 v9, $0x1;
	v9 =	vor.u32 $0x17, v12  }
0x1e3: {  	v2 =	vor.u32 v58, v2;
	v59 =	vor.u32 v57, v3;
	v10 =	vld.idx.msk [tilespmem:v10+s10+$0x0], $0xffff;
	v12 =	vand.u32 $0x7, v7  }
0x1e4: {  	v0 =	vshll.u32 v4, $0x7;
	v14 =	vld [tilespmem:s23+$0x1200];
	[tilespmem:s16+$0x7400] =	vst v6;
	v6 =	vand.u32 $0x7, v59;
	v3 =	vshll.u32 v12, $0x7  }
0x1e5: {  	[tilespmem:s24+$0x5580] =	vst v13;
	v12 =	vand.u32 $0x7, v2;
	v5 =	vld.idx.msk [tilespmem:v5+s10+$0x0], $0xffff;
	v60 =	vor.u32 $0xC, v3;
	v3 =	vshll.u32 v6, $0x7  }
0x1e6: {  	v4 =	vshll.u32 v4, $0x1;
	[tilespmem:s14+$0x4400] =	vst v11;
	v6 =	vshll.u32 v12, $0x7;
	v62 =	vld.idx.msk [tilespmem:v8+s10+$0x0], $0xffff;
	v8 =	vor.u32 $0x1A, v3  }
0x1e7: {  	s11 =	sor.u32 $0x2380, s7;
	s20 =	sadd.s32 $0x7780, s29;
	v11 =	vor.u32 $0xD, v0;
	v0 =	vor.u32 v55, v4;
	v63 =	vor.u32 $0x1E, v6;
	v6 =	vld.idx.msk [tilespmem:v9+s10+$0x0], $0xffff  }
0x1e8: {  	s0 =	sor.u32 $0x3300, s0;
	s28 =	sor.u32 s28, s20;
	v4 =	vand.u32 $0x7, v0;
	v3 =	vshll.u32 v0, $0x1;
	v0 =	vshll.u32 v7, $0x1;
	v9 =	vld [tilespmem:s11+$0x0];
	[tilespmem:s31+$0x7680] =	vst v10  }
0x1e9: {  	s8 =	sor.u32 $0x1380, s4;
	[tilespmem:s28+$0x0] =	vst v1;
	v1 =	vshll.u32 v2, $0x8;
	v7 =	vor.u32 v14, v0;
	v10 =	vshll.u32 v59, $0x1;
	v0 =	vld [tilespmem:s0+$0x0]  }
0x1ea: {  	s9 =	sor.u32 $0x2380, s4;
	s29 =	sor.u32 $0x2300, s4;
	s5 =	simm.s32 $0x60;
	v4 =	vshll.u32 v4, $0x7;
	v12 =	vand.u32 $0x7, v7;
	v13 =	vld.idx.msk [tilespmem:v60+s10+$0x0], $0xffff;
	[tilespmem:s16+$0x7480] =	vst v5;
	v5 =	vor.u32 v61, v10  }
0x1eb: {  	s13 =	sor.u32 s30, s20;
	s30 =	sor.u32 $0x3300, s4;
	s3 =	sor.u32 $0x1300, s4;
	v4 =	vor.u32 $0xE, v4;
	v2 =	vshll.u32 v12, $0x7;
	v7 =	vld.idx.msk [tilespmem:v8+s10+$0x0], $0xffff;
	v5 =	vand.u32 $0x7, v5  }
0x1ec: {  	s4 =	simm.s32 $0x300;
	s31 =	sor.u32 $0x3300, s7;
	s7 =	simm.s32 $0x4;
	v14 =	vor.u32 $0xD, v2;
	[tilespmem:s24+$0x5600] =	vst v62;
	v8 =	vshll.u32 v15, $0x1;
	v2 =	vld.idx.msk [tilespmem:v63+s10+$0x0], $0xffff;
	v10 =	vshll.u32 v5, $0x7  }
.LBB2_2:
0x1ed: {  	_ =	sdelay $0x1  }
0x1ee: {  	[dreg:$0x8] =	wrdreg s13;
	s13 =	sand.u32 $0x60, s5;
	s12 =	sand.u32 $0xC00, s4;
	v11 =	vld.idx.msk [tilespmem:v11+s10+$0x0], $0xffff;
	v10 =	vor.u32 $0x1B, v10;
	[tilespmem:s11+$0x4400] =	vst v6  }
0x1ef: {  	s14 =	sor.u32 s13, s12;
	v6 =	vor.u32 v9, v8;
	v9 =	vld [tilespmem:s17+$0x3000]  }
0x1f0: {  	v16 =	vld [tilespmem:s14+$0x0];
	v0 =	vshll.u32 v0, $0x7  }
0x1f1: {  	v8 =	vand.u32 $0x7, v6;
	[tilespmem:s23+$0x5600] =	vst v13;
	v0 =	vor.u32 v1, v0;
	v1 =	vld [tilespmem:s23+$0x1280]  }
0x1f2: {  	v15 =	vshll.u32 v6, $0x1;
	v6 =	vshll.u32 v8, $0x7;
	v8 =	vld.idx.msk [tilespmem:v14+s10+$0x0], $0xffff;
	[tilespmem:s16+$0x7500] =	vst v7  }
0x1f3: {  	s20 =	sor.u32 $0x3180, s19;
	v7 =	vld.idx.msk [tilespmem:v10+s10+$0x0], $0xffff  }
0x1f4: {  	s11 =	smov.u32 s9;
	s9 =	sor.u32 $0x10, s13;
	[tilespmem:s0+$0x4400] =	vst v2;
	v10 =	vld [tilespmem:s20+$0x0]  }
0x1f5: {  	s6 =	sor.u32 s12, s9;
	[tilespmem:s24+$0x5680] =	vst v11;
	v13 =	vld [tilespmem:s14+$0x0]  }
0x1f6: {  	v18 =	vld [tilespmem:s6+$0x80]  }
0x1f7: {  	v5 =	vshll.u32 v5, $0x1;
	v11 =	vshll.u32 v12, $0x1;
	v44 =	vld [tilespmem:s6+$0x100];
	v2 =	vor.u32 v9, v15  }
0x1f8: {  	v21 =	vld [tilespmem:s6+$0x200];
	v12 =	vand.u32 $0x7, v2;
	v2 =	vshll.u32 v16, $0x6;
	v11 =	vor.u32 v1, v11  }
0x1f9: {  	s15 =	sor.u32 $0x1300, s26;
	v9 =	vld [tilespmem:s6+$0x0];
	v1 =	vshll.u32 v12, $0x7;
	v14 =	vand.u32 $0xFFFFFF80, v2;
	[tilespmem:s23+$0x5680] =	vst v8;
	v17 =	vand.u32 $0x7, v11  }
0x1fa: {  	v2 =	vor.u32 $0x19, v1;
	v1 =	vshll.u32 v12, $0x1;
	v12 =	vld [tilespmem:s15+$0x0];
	v8 =	vshll.u32 v17, $0x7  }
0x1fb: {  	v15 =	vld [tilespmem:s6+$0x0];
	v16 =	vand.u32 $0x6, v16;
	v5 =	vor.u32 v10, v5;
	[tilespmem:s20+$0x4400] =	vst v7;
	v8 =	vor.u32 $0xE, v8  }
0x1fc: {  	v13 =	vand.u32 $0x7, v13;
	v11 =	vshll.u32 v11, $0x1;
	v7 =	vand.u32 $0x7, v5;
	v19 =	vld [tilespmem:s16+$0x3200]  }
0x1fd: {  	v13 =	vor.u32 v16, v13;
	v20 =	vld [tilespmem:s14+$0x80];
	v5 =	vshll.u32 v5, $0x1;
	v7 =	vshll.u32 v7, $0x7  }
0x1fe: {  	v10 =	vshll.u32 v9, $0x6;
	v9 =	vand.u32 $0x6, v9;
	v7 =	vor.u32 $0x1C, v7;
	v14 =	vld.idx.msk [tilespmem:v14+s10+$0x0], $0xffff  }
0x1ff: {  	v53 =	vld [tilespmem:s6+$0x280];
	v16 =	vshll.u32 v13, $0x7;
	v10 =	vand.u32 $0xFFFFFF80, v10;
	v11 =	vor.u32 v12, v11  }
0x200: {  	v15 =	vand.u32 $0x7, v15;
	v16 =	vor.u32 $0x1, v16;
	v11 =	vand.u32 $0x7, v11;
	v8 =	vld.idx.msk [tilespmem:v8+s10+$0x0], $0xffff  }
0x201: {  	v47 =	vld [tilespmem:s14+$0x100];
	v13 =	vshll.u32 v13, $0x1;
	v5 =	vor.u32 v19, v5;
	v22 =	vshll.u32 v11, $0x7  }
0x202: {  	v9 =	vor.u32 v9, v15;
	v15 =	vld [tilespmem:s6+$0x180];
	v5 =	vand.u32 $0x7, v5;
	v45 =	vor.u32 $0xF, v22  }
0x203: {  	v13 =	vor.u32 v20, v13;
	v7 =	vld.idx.msk [tilespmem:v7+s10+$0x0], $0xffff;
	[tilespmem:s14+$0x4400] =	vst v14;
	v14 =	vshll.u32 v5, $0x7  }
0x204: {  	v12 =	vshll.u32 v9, $0x7;
	v20 =	vand.u32 $0x7, v13;
	v10 =	vld.idx.msk [tilespmem:v10+s10+$0x0], $0xffff;
	v14 =	vor.u32 $0x1D, v14  }
0x205: {  	s28 =	sor.u32 $0x1380, s2;
	v9 =	vshll.u32 v9, $0x1;
	v12 =	vor.u32 $0x1, v12;
	v46 =	vshll.u32 v20, $0x7;
	v16 =	vld.idx.msk [tilespmem:v16+s10+$0x0], $0xffff;
	[tilespmem:s15+$0x4400] =	vst v8  }
0x206: {  	v9 =	vor.u32 v18, v9;
	v8 =	vor.u32 $0x2, v46;
	v50 =	vld [tilespmem:s28+$0x0]  }
0x207: {  	v48 =	vand.u32 $0x7, v9;
	v9 =	vshll.u32 v9, $0x1;
	v13 =	vshll.u32 v13, $0x1;
	v19 =	vld.idx.msk [tilespmem:v45+s10+$0x0], $0xffff  }
0x208: {  	v11 =	vshll.u32 v11, $0x1;
	v49 =	vshll.u32 v48, $0x7;
	v9 =	vor.u32 v44, v9;
	[tilespmem:s16+$0x7600] =	vst v7;
	v7 =	vld [tilespmem:s16+$0x3280]  }
0x209: {  	v13 =	vor.u32 v47, v13;
	v18 =	vor.u32 $0x2, v49;
	v9 =	vand.u32 $0x7, v9;
	[tilespmem:s6+$0x4400] =	vst v10;
	v14 =	vld.idx.msk [tilespmem:v14+s10+$0x0], $0xffff  }
0x20a: {  	v13 =	vand.u32 $0x7, v13;
	v51 =	vshll.u32 v9, $0x7;
	v9 =	vshll.u32 v9, $0x1;
	v12 =	vld.idx.msk [tilespmem:v12+s10+$0x0], $0xffff;
	[tilespmem:s14+$0x4480] =	vst v16  }
0x20b: {  	v5 =	vshll.u32 v5, $0x1;
	v52 =	vshll.u32 v13, $0x7;
	v9 =	vor.u32 v15, v9;
	v8 =	vld.idx.msk [tilespmem:v8+s10+$0x0], $0xffff  }
0x20c: {  	v15 =	vand.u32 $0x7, v9;
	v54 =	vld [tilespmem:s3+$0x0];
	v16 =	vor.u32 $0x3, v52;
	v11 =	vor.u32 v50, v11  }
0x20d: {  	v9 =	vshll.u32 v9, $0x1;
	v56 =	vld.idx.msk [tilespmem:v4+s10+$0x0], $0xffff;
	[tilespmem:s28+$0x4400] =	vst v19;
	v5 =	vor.u32 v7, v5;
	v17 =	vand.u32 $0x7, v11  }
0x20e: {  	s18 =	sor.u32 $0x3300, s18;
	v9 =	vor.u32 v21, v9;
	v55 =	vld [tilespmem:s23+$0x2000];
	v4 =	vand.u32 $0x7, v5;
	v17 =	vshll.u32 v17, $0x7;
	[tilespmem:s16+$0x7680] =	vst v14  }
0x20f: {  	s20 =	sand.u32 $0xFFFFFC00, s4;
	v7 =	vand.u32 $0x7, v9;
	[tilespmem:s6+$0x4480] =	vst v12;
	s16 =	smov.u32 s23;
	s23 =	smov.u32 s14;
	v4 =	vshll.u32 v4, $0x7;
	v9 =	vor.u32 $0x10, v17;
	v14 =	vld [tilespmem:s18+$0x0]  }
0x210: {  	s19 =	smov.u32 s25;
	s25 =	sadd.s32 s20, s5;
	v12 =	vshll.u32 v7, $0x7;
	v7 =	vshll.u32 v7, $0x1;
	v57 =	vor.u32 $0x1E, v4;
	[tilespmem:s23+$0x4500] =	vst v8;
	v8 =	vld.idx.msk [tilespmem:v18+s10+$0x0], $0xffff  }
0x211: {  	v10 =	vor.u32 $0x3, v51;
	v7 =	vor.u32 v53, v7;
	s14 =	sor.u32 $0x180, s25;
	v16 =	vld.idx.msk [tilespmem:v16+s10+$0x0], $0xffff  }
0x212: {  	v20 =	vand.u32 $0x7, v7;
	v4 =	vshll.u32 v7, $0x1;
	v7 =	vshll.u32 v11, $0x1;
	v11 =	vld [tilespmem:s14+$0x0]  }
0x213: {  	v6 =	vor.u32 $0x18, v6;
	v59 =	vld [tilespmem:s16+$0x2080];
	v7 =	vor.u32 v55, v7  }
0x214: {  	v5 =	vshll.u32 v5, $0x8;
	[tilespmem:s3+$0x4400] =	vst v56;
	v7 =	vand.u32 $0x7, v7;
	v9 =	vld.idx.msk [tilespmem:v9+s10+$0x0], $0xffff;
	v14 =	vshll.u32 v14, $0x7  }
0x215: {  	v19 =	vor.u32 v54, v3;
	v58 =	vshll.u32 v7, $0x7;
	v18 =	vld.idx.msk [tilespmem:v57+s10+$0x0], $0xffff;
	v5 =	vor.u32 v5, v14;
	[tilespmem:s6+$0x4500] =	vst v8  }
0x216: {  	v19 =	vand.u32 $0x7, v19;
	v60 =	vor.u32 $0x11, v58;
	v14 =	vld [tilespmem:s8+$0x0];
	v5 =	vand.u32 $0x380, v5  }
0x217: {  	v13 =	vshll.u32 v13, $0x1;
	v61 =	vshll.u32 v19, $0x7;
	v10 =	vld.idx.msk [tilespmem:v10+s10+$0x0], $0xffff;
	v5 =	vor.u32 $0x1F, v5  }
0x218: {  	v15 =	vshll.u32 v15, $0x7;
	v8 =	vor.u32 $0xF, v61;
	v11 =	vor.u32 v11, v13;
	[tilespmem:s14+$0x4400] =	vst v16;
	v6 =	vld.idx.msk [tilespmem:v6+s10+$0x0], $0xffff  }
0x219: {  	v15 =	vor.u32 $0x4, v15;
	v7 =	vshll.u32 v7, $0x1;
	v62 =	vand.u32 $0x7, v11;
	v63 =	vld [tilespmem:s23+$0x200]  }
0x21a: {  	v7 =	vor.u32 v59, v7;
	v26 =	vld [tilespmem:s16+$0x2100];
	v16 =	vshll.u32 v62, $0x7;
	[tilespmem:s16+$0x6400] =	vst v9  }
0x21b: {  	v25 =	vand.u32 $0x7, v7;
	v9 =	vor.u32 $0x4, v16;
	v24 =	vld.idx.msk [tilespmem:v60+s10+$0x0], $0xffff;
	[tilespmem:s18+$0x4400] =	vst v18  }
0x21c: {  	v13 =	vshll.u32 v19, $0x1;
	v17 =	vshll.u32 v25, $0x7;
	[tilespmem:s6+$0x4580] =	vst v10;
	v5 =	vld.idx.msk [tilespmem:v5+s10+$0x0], $0xffff  }
0x21d: {  	v13 =	vor.u32 v14, v13;
	v14 =	vor.u32 $0x12, v17;
	v8 =	vld.idx.msk [tilespmem:v8+s10+$0x0], $0xffff  }
0x21e: {  	v11 =	vshll.u32 v11, $0x1;
	v15 =	vld.idx.msk [tilespmem:v15+s10+$0x0], $0xffff  }
0x21f: {  	v11 =	vor.u32 v63, v11;
	v28 =	vld [tilespmem:s17+$0x3080]  }
0x220: {  	v7 =	vshll.u32 v7, $0x1;
	[tilespmem:s17+$0x7400] =	vst v6;
	v6 =	vld.idx.msk [tilespmem:v9+s10+$0x0], $0xffff;
	v9 =	vand.u32 $0x7, v11  }
0x221: {  	v12 =	vor.u32 $0x5, v12;
	v7 =	vor.u32 v26, v7;
	v2 =	vld.idx.msk [tilespmem:v2+s10+$0x0], $0xffff;
	v11 =	vshll.u32 v9, $0x7;
	[tilespmem:s16+$0x6480] =	vst v24  }
0x222: {  	s22 =	sadd.s32 $0x7780, s22;
	v7 =	vand.u32 $0x7, v7;
	v11 =	vor.u32 $0x5, v11;
	v14 =	vld.idx.msk [tilespmem:v14+s10+$0x0], $0xffff;
	[tilespmem:s8+$0x4400] =	vst v8  }
0x223: {  	s21 =	sor.u32 s21, s22;
	v29 =	vshll.u32 v7, $0x7;
	v8 =	vld [tilespmem:s17+$0x3100];
	[tilespmem:s6+$0x4600] =	vst v15  }
0x224: {  	s1 =	sadd.s32 $0x1, s1;
	v27 =	vand.u32 $0x7, v13;
	[tilespmem:s21+$0x0] =	vst v5;
	v5 =	vor.u32 $0x13, v29;
	v15 =	vld [tilespmem:s24+$0x2000]  }
0x225: {  	s0 =	smov.u32 s31;
	s31 =	smov.u32 s30;
	s15 =	rddreg [dreg:$0x5];
	v10 =	vshll.u32 v27, $0x7;
	v1 =	vor.u32 v28, v1;
	[tilespmem:s23+$0x4600] =	vst v6;
	v6 =	vld [tilespmem:s23+$0x280]  }
0x226: {  	s20 =	smov.u32 s12;
	s28 =	smov.u32 s26;
	s26 =	rddreg [dreg:$0x4];
	v20 =	vshll.u32 v20, $0x7;
	v10 =	vor.u32 $0x10, v10;
	v16 =	vand.u32 $0x7, v1;
	v12 =	vld.idx.msk [tilespmem:v12+s10+$0x0], $0xffff;
	[tilespmem:s17+$0x7480] =	vst v2  }
0x227: {  	s12 =	sor.u32 s26, s22;
	v3 =	vor.u32 $0x6, v20;
	s18 =	smov.u32 s15;
	s15 =	rddreg [dreg:$0x6];
	v11 =	vld.idx.msk [tilespmem:v11+s10+$0x0], $0xffff;
	[tilespmem:s16+$0x6500] =	vst v14;
	v14 =	vshll.u32 v16, $0x7  }
0x228: {  	s14 =	smov.u32 s9;
	s22 =	smov.u32 s15;
	v13 =	vshll.u32 v13, $0x1;
	s21 =	rddreg [dreg:$0x7];
	v1 =	vshll.u32 v1, $0x1;
	v30 =	vld [tilespmem:s24+$0x2080];
	v2 =	vor.u32 $0x1A, v14  }
0x229: {  	s15 =	sand.u32 $0x3, s1;
	[dreg:$0x7] =	wrdreg s14;
	s14 =	sor.u32 $0x2180, s19;
	v5 =	vld.idx.msk [tilespmem:v5+s10+$0x0], $0xffff;
	v1 =	vor.u32 v8, v1;
	v8 =	vshll.u32 v9, $0x1;
	v13 =	vor.u32 v15, v13  }
0x22a: {  	[dreg:$0x5] =	wrdreg s20;
	s3 =	sshll.u32 s15, $0x5;
	s26 =	smov.u32 s21;
	v9 =	vld [tilespmem:s14+$0x0];
	v14 =	vand.u32 $0x7, v1;
	v6 =	vor.u32 v6, v8;
	v1 =	vand.u32 $0x7, v13  }
0x22b: {  	s20 =	smov.u32 s13;
	[dreg:$0x4] =	wrdreg s26;
	s26 =	sadd.s32 s3, s4;
	v8 =	vld.idx.msk [tilespmem:v10+s10+$0x0], $0xffff;
	v13 =	vand.u32 $0x7, v6;
	v15 =	vshll.u32 v1, $0x7  }
0x22c: {  	[dreg:$0x6] =	wrdreg s20;
	s20 =	sor.u32 $0x300, s26;
	s30 =	sadd.s32 $0x10, s26;
	v10 =	vshll.u32 v14, $0x7;
	[tilespmem:s23+$0x4680] =	vst v11;
	v11 =	vshll.u32 v13, $0x7;
	v13 =	vor.u32 $0x11, v15;
	v15 =	vld [tilespmem:s24+$0x2100]  }
0x22d: {  	s21 =	sor.u32 $0x300, s30;
	v31 =	vshll.u32 v1, $0x1;
	v1 =	vor.u32 $0x1B, v10;
	v10 =	vor.u32 $0x6, v11;
	v11 =	vld [tilespmem:s20+$0x0];
	[tilespmem:s6+$0x4680] =	vst v12  }
0x22e: {  	v7 =	vshll.u32 v7, $0x1;
	v12 =	vshll.u32 v14, $0x1;
	v14 =	vld [tilespmem:s21+$0x0]  }
0x22f: {  	[tilespmem:s14+$0x4400] =	vst v5;
	v7 =	vor.u32 v9, v7;
	v3 =	vld.idx.msk [tilespmem:v3+s10+$0x0], $0xffff  }
0x230: {  	v9 =	vld [tilespmem:s16+$0x2200];
	v5 =	vand.u32 $0x7, v7;
	[tilespmem:s24+$0x6400] =	vst v8;
	v8 =	vor.u32 v30, v31  }
0x231: {  	v6 =	vshll.u32 v6, $0x1;
	v33 =	vld [tilespmem:s24+$0x2200];
	v5 =	vshll.u32 v5, $0x7;
	v16 =	vand.u32 $0x7, v8  }
0x232: {  	v5 =	vor.u32 $0x14, v5;
	v13 =	vld.idx.msk [tilespmem:v13+s10+$0x0], $0xffff;
	v6 =	vor.u32 v11, v6;
	v11 =	vshll.u32 v16, $0x7  }
0x233: {  	v10 =	vld.idx.msk [tilespmem:v10+s10+$0x0], $0xffff;
	v6 =	vand.u32 $0x7, v6;
	v4 =	vor.u32 v14, v4;
	v11 =	vor.u32 $0x12, v11  }
0x234: {  	v7 =	vshll.u32 v7, $0x1;
	v14 =	vld [tilespmem:s24+$0x2180];
	[tilespmem:s21+$0x4400] =	vst v3;
	v32 =	vshll.u32 v6, $0x7;
	v4 =	vand.u32 $0x7, v4  }
0x235: {  	s15 =	sor.u32 $0x380, s30;
	v7 =	vor.u32 v9, v7;
	v9 =	vld [tilespmem:s24+$0x2280];
	v16 =	vor.u32 $0x7, v32;
	v3 =	vshll.u32 v4, $0x7  }
0x236: {  	v8 =	vshll.u32 v8, $0x1;
	v7 =	vand.u32 $0x7, v7;
	v34 =	vld [tilespmem:s15+$0x0];
	v3 =	vor.u32 $0x7, v3  }
0x237: {  	s14 =	sor.u32 s5, s4;
	v8 =	vor.u32 v15, v8;
	v35 =	vshll.u32 v7, $0x7;
	v5 =	vld.idx.msk [tilespmem:v5+s10+$0x0], $0xffff;
	[tilespmem:s24+$0x6480] =	vst v13  }
0x238: {  	v8 =	vand.u32 $0x7, v8;
	[tilespmem:s20+$0x4400] =	vst v10;
	s20 =	sor.u32 $0x380, s14;
	v10 =	vor.u32 $0x15, v35;
	v11 =	vld.idx.msk [tilespmem:v11+s10+$0x0], $0xffff  }
0x239: {  	v15 =	vshll.u32 v8, $0x7;
	v13 =	vld [tilespmem:s20+$0x0]  }
0x23a: {  	v15 =	vor.u32 $0x13, v15;
	v16 =	vld.idx.msk [tilespmem:v16+s10+$0x0], $0xffff  }
0x23b: {  	v8 =	vshll.u32 v8, $0x1;
	v3 =	vld.idx.msk [tilespmem:v3+s10+$0x0], $0xffff  }
0x23c: {  	v8 =	vor.u32 v14, v8;
	[tilespmem:s16+$0x6600] =	vst v5;
	v5 =	vld [tilespmem:s16+$0x2280]  }
0x23d: {  	v4 =	vshll.u32 v4, $0x1;
	v14 =	vand.u32 $0x7, v8;
	v8 =	vshll.u32 v8, $0x1;
	v10 =	vld.idx.msk [tilespmem:v10+s10+$0x0], $0xffff;
	[tilespmem:s24+$0x6500] =	vst v11  }
0x23e: {  	v6 =	vshll.u32 v6, $0x1;
	v4 =	vor.u32 v34, v4;
	v8 =	vor.u32 v33, v8;
	v11 =	vld.idx.msk [tilespmem:v2+s10+$0x0], $0xffff  }
0x23f: {  	v7 =	vshll.u32 v7, $0x1;
	v36 =	vand.u32 $0x7, v4;
	v8 =	vand.u32 $0x7, v8;
	v15 =	vld.idx.msk [tilespmem:v15+s10+$0x0], $0xffff  }
0x240: {  	v17 =	vshll.u32 v36, $0x7;
	v6 =	vor.u32 v13, v6;
	v2 =	vshll.u32 v8, $0x7;
	v39 =	vld [tilespmem:s17+$0x3180];
	[tilespmem:s20+$0x4400] =	vst v16  }
0x241: {  	v13 =	vor.u32 $0x8, v17;
	v37 =	vand.u32 $0x7, v6;
	v38 =	vor.u32 $0x15, v2;
	v40 =	vld [tilespmem:s23+$0x1000];
	[tilespmem:s15+$0x4400] =	vst v3  }
0x242: {  	v2 =	vshll.u32 v37, $0x7;
	v3 =	vor.u32 v5, v7;
	v5 =	vshll.u32 v8, $0x1;
	v8 =	vld [tilespmem:s6+$0x1000]  }
0x243: {  	s20 =	sor.u32 $0x2300, s28;
	v7 =	vor.u32 $0x8, v2;
	v2 =	vand.u32 $0x7, v3;
	v5 =	vor.u32 v9, v5;
	v9 =	vld [tilespmem:s6+$0x1080];
	[tilespmem:s16+$0x6680] =	vst v10  }
0x244: {  	v10 =	vshll.u32 v2, $0x7;
	v42 =	vld [tilespmem:s20+$0x0]  }
0x245: {  	v43 =	vld [tilespmem:s23+$0x1080];
	v10 =	vor.u32 $0x16, v10  }
0x246: {  	v14 =	vshll.u32 v14, $0x7;
	v4 =	vshll.u32 v4, $0x1;
	v6 =	vshll.u32 v6, $0x1;
	v48 =	vld [tilespmem:s23+$0x1100];
	[tilespmem:s17+$0x7500] =	vst v11  }
0x247: {  	v14 =	vor.u32 $0x14, v14;
	v12 =	vor.u32 v39, v12;
	v11 =	vld.idx.msk [tilespmem:v13+s10+$0x0], $0xffff;
	[tilespmem:s24+$0x6580] =	vst v15;
	v6 =	vor.u32 v40, v6  }
0x248: {  	v3 =	vshll.u32 v3, $0x1;
	v15 =	vand.u32 $0x7, v12;
	v13 =	vld [tilespmem:s6+$0x1100];
	v6 =	vand.u32 $0x7, v6  }
0x249: {  	v7 =	vld.idx.msk [tilespmem:v7+s10+$0x0], $0xffff;
	v4 =	vor.u32 v8, v4;
	v8 =	vshll.u32 v15, $0x7;
	v15 =	vshll.u32 v6, $0x7  }
0x24a: {  	v4 =	vand.u32 $0x7, v4;
	v3 =	vor.u32 v42, v3;
	v15 =	vor.u32 $0x9, v15;
	v10 =	vld.idx.msk [tilespmem:v10+s10+$0x0], $0xffff  }
0x24b: {  	v45 =	vld [tilespmem:s6+$0x1180];
	v44 =	vshll.u32 v4, $0x7;
	v3 =	vand.u32 $0x7, v3  }
0x24c: {  	v47 =	vld [tilespmem:s6+$0x1280];
	v18 =	vor.u32 $0x9, v44;
	[tilespmem:s6+$0x5400] =	vst v11;
	v11 =	vshll.u32 v3, $0x7  }
0x24d: {  	v4 =	vshll.u32 v4, $0x1;
	v11 =	vor.u32 $0x17, v11;
	v14 =	vld.idx.msk [tilespmem:v14+s10+$0x0], $0xffff  }
0x24e: {  	v0 =	vand.u32 $0x380, v0;
	s21 =	smov.u32 s22;
	v6 =	vshll.u32 v6, $0x1;
	v4 =	vor.u32 v9, v4;
	v9 =	vld [tilespmem:s6+$0x1200];
	[tilespmem:s23+$0x5400] =	vst v7  }
0x24f: {  	s22 =	smov.u32 s18;
	s18 =	smov.u32 s28;
	s28 =	sor.u32 $0x2380, s2;
	v41 =	vand.u32 $0x7, v5;
	v2 =	vshll.u32 v5, $0x1;
	v6 =	vor.u32 v43, v6;
	v15 =	vld.idx.msk [tilespmem:v15+s10+$0x0], $0xffff;
	[tilespmem:s20+$0x4400] =	vst v10  }
0x250: {  	v16 =	vand.u32 $0x7, v6;
	v46 =	vand.u32 $0x7, v4;
	v4 =	vshll.u32 v4, $0x1;
	v49 =	vld [tilespmem:s28+$0x0]  }
0x251: {  	v8 =	vor.u32 $0x1C, v8;
	v4 =	vor.u32 v13, v4;
	v13 =	vshll.u32 v16, $0x7;
	v18 =	vld.idx.msk [tilespmem:v18+s10+$0x0], $0xffff  }
0x252: {  	v7 =	vshll.u32 v46, $0x7;
	v4 =	vand.u32 $0x7, v4;
	v10 =	vor.u32 $0xA, v13;
	v50 =	vld.idx.msk [tilespmem:v11+s10+$0x0], $0xffff;
	[tilespmem:s24+$0x6600] =	vst v14  }
0x253: {  	v7 =	vor.u32 $0xA, v7;
	v13 =	vshll.u32 v4, $0x7;
	v4 =	vshll.u32 v4, $0x1;
	v1 =	vld.idx.msk [tilespmem:v1+s10+$0x0], $0xffff  }
0x254: {  	v6 =	vshll.u32 v6, $0x1;
	v3 =	vshll.u32 v3, $0x1;
	v4 =	vor.u32 v45, v4;
	v14 =	vld.idx.msk [tilespmem:v38+s10+$0x0], $0xffff  }
0x255: {  	v6 =	vor.u32 v48, v6;
	v11 =	vand.u32 $0x7, v4;
	v4 =	vshll.u32 v4, $0x1;
	v52 =	vld [tilespmem:s17+$0x3200]  }
0x256: {  	v6 =	vand.u32 $0x7, v6;
	v11 =	vshll.u32 v11, $0x7;
	v4 =	vor.u32 v9, v4;
	v53 =	vld [tilespmem:s17+$0x3280];
	[tilespmem:s23+$0x5480] =	vst v15  }
0x257: {  	v9 =	vor.u32 $0xC, v11;
	v4 =	vand.u32 $0x7, v4;
	v15 =	vshll.u32 v6, $0x7;
	v10 =	vld.idx.msk [tilespmem:v10+s10+$0x0], $0xffff;
	[tilespmem:s6+$0x5480] =	vst v18  }
0x258: {  	v51 =	vor.u32 v49, v3;
	v15 =	vor.u32 $0xB, v15;
	v3 =	vshll.u32 v4, $0x1;
	[tilespmem:s28+$0x4400] =	vst v50;
	v7 =	vld.idx.msk [tilespmem:v7+s10+$0x0], $0xffff  }
0x259: {  	v11 =	vshll.u32 v4, $0x7;
	v4 =	vand.u32 $0x7, v51;
	v3 =	vor.u32 v47, v3;
	v54 =	vld [tilespmem:s16+$0x3000];
	[tilespmem:s17+$0x7580] =	vst v1  }
0x25a: {  	v5 =	vshll.u32 v41, $0x7;
	v4 =	vshll.u32 v4, $0x7;
	v55 =	vand.u32 $0x7, v3;
	[tilespmem:s24+$0x6680] =	vst v14  }
0x25b: {  	v12 =	vshll.u32 v12, $0x1;
	v56 =	vor.u32 $0x18, v4;
	v1 =	vshll.u32 v55, $0x7;
	v8 =	vld.idx.msk [tilespmem:v8+s10+$0x0], $0xffff  }
0x25c: {  	v13 =	vor.u32 $0xB, v13;
	v4 =	vor.u32 $0xE, v1;
	v1 =	vor.u32 v52, v12;
	[tilespmem:s23+$0x5500] =	vst v10;
	v10 =	vld [tilespmem:s29+$0x0]  }
0x25d: {  	v5 =	vor.u32 $0x16, v5;
	s20 =	sor.u32 $0x1180, s25;
	v14 =	vshll.u32 v51, $0x1;
	v1 =	vand.u32 $0x7, v1;
	v12 =	vld.idx.msk [tilespmem:v15+s10+$0x0], $0xffff  }
0x25e: {  	v0 =	vor.u32 $0x1F, v0;
	v15 =	vld [tilespmem:s20+$0x0];
	v57 =	vshll.u32 v1, $0x7;
	v14 =	vor.u32 v54, v14  }
0x25f: {  	v1 =	vshll.u32 v1, $0x1;
	v59 =	vld [tilespmem:s16+$0x3080];
	v16 =	vor.u32 $0x1D, v57;
	v14 =	vand.u32 $0x7, v14  }
0x260: {  	[tilespmem:s6+$0x5500] =	vst v7;
	v1 =	vor.u32 v53, v1;
	v58 =	vld.idx.msk [tilespmem:v56+s10+$0x0], $0xffff;
	v7 =	vshll.u32 v14, $0x7  }
0x261: {  	v13 =	vld.idx.msk [tilespmem:v13+s10+$0x0], $0xffff;
	v19 =	vand.u32 $0x7, v1;
	[tilespmem:s17+$0x7600] =	vst v8;
	v7 =	vor.u32 $0x19, v7;
	v2 =	vor.u32 v10, v2  }
0x262: {  	v6 =	vshll.u32 v6, $0x1;
	v8 =	vshll.u32 v19, $0x7;
	v5 =	vld.idx.msk [tilespmem:v5+s10+$0x0], $0xffff;
	v2 =	vand.u32 $0x7, v2  }
0x263: {  	v0 =	vld.idx.msk [tilespmem:v0+s10+$0x0], $0xffff;
	v19 =	vor.u32 $0x1E, v8;
	v10 =	vshll.u32 v2, $0x7;
	v8 =	vshll.u32 v2, $0x1  }
0x264: {  	[tilespmem:s20+$0x4400] =	vst v12;
	v2 =	vor.u32 v15, v6;
	v6 =	vshll.u32 v14, $0x1;
	v12 =	vld.idx.msk [tilespmem:v16+s10+$0x0], $0xffff;
	v10 =	vor.u32 $0x17, v10  }
0x265: {  	v15 =	vld [tilespmem:s23+$0x1200];
	v14 =	vand.u32 $0x7, v2;
	[tilespmem:s16+$0x7400] =	vst v58;
	v60 =	vor.u32 v59, v6  }
0x266: {  	v6 =	vshll.u32 v14, $0x7;
	v14 =	vand.u32 $0x7, v60;
	v7 =	vld.idx.msk [tilespmem:v7+s10+$0x0], $0xffff  }
0x267: {  	[tilespmem:s6+$0x5580] =	vst v13;
	v61 =	vor.u32 $0xC, v6;
	v6 =	vshll.u32 v14, $0x7;
	v14 =	vld [tilespmem:s16+$0x3100]  }
0x268: {  	s7 =	sadd.s32 $0x2, s7;
	s28 =	rddreg [dreg:$0x8];
	v62 =	vld.idx.msk [tilespmem:v9+s10+$0x0], $0xffff;
	[tilespmem:s29+$0x4400] =	vst v5;
	v63 =	vor.u32 $0x1A, v6  }
0x269: {  	p0 =	slt.u32 s7, $0x1E;
	v6 =	vld.idx.msk [tilespmem:v10+s10+$0x0], $0xffff;
	[tilespmem:s28+$0x0] =	vst v0  }
.Ltmp0:
0x26a: {  	v0 =	vshll.u32 v2, $0x1;
	v9 =	vld [tilespmem:s11+$0x0];
	[tilespmem:s17+$0x7680] =	vst v12;
	(pc) =	sbr.rel @p0 .LBB2_2-.Ltmp0, $4  }
0x26b: {  	s3 =	sor.u32 $0x1300, s30;
	s8 =	sor.u32 $0x1380, s30;
	s13 =	sor.u32 $0x2300, s30;
	v5 =	vshll.u32 v60, $0x1;
	v2 =	vor.u32 v15, v0;
	v0 =	vld [tilespmem:s0+$0x0]  }
0x26c: {  	s9 =	sor.u32 $0x2380, s30;
	v11 =	vor.u32 $0xD, v11;
	s17 =	smov.u32 s24;
	s24 =	smov.u32 s6;
	v13 =	vld.idx.msk [tilespmem:v61+s10+$0x0], $0xffff;
	v12 =	vand.u32 $0x7, v2;
	[tilespmem:s16+$0x7480] =	vst v7;
	v2 =	vor.u32 v14, v5  }
0x26d: {  	s30 =	sor.u32 $0x3300, s30;
	s4 =	sadd.s32 $0x100, s4;
	s5 =	sadd.s32 $0x20, s5;
	v3 =	vshll.u32 v3, $0x1;
	[tilespmem:s24+$0x5600] =	vst v62;
	v10 =	vshll.u32 v12, $0x7;
	v7 =	vld.idx.msk [tilespmem:v63+s10+$0x0], $0xffff;
	v5 =	vand.u32 $0x7, v2  }
0x26e: {  	s2 =	smov.u32 s14;
	v1 =	vshll.u32 v1, $0x8;
	s29 =	smov.u32 s13;
	s13 =	smov.u32 s12;
	v2 =	vld.idx.msk [tilespmem:v19+s10+$0x0], $0xffff;
	v14 =	vor.u32 $0xD, v10;
	v10 =	vshll.u32 v5, $0x7  }
0x26f: {  	_ =	sdelay $0x2  }
0x270: {  	v56 =	vld [tilespmem:s23+$0x1280];
	[tilespmem:s23+$0x5600] =	vst v13  }
0x271: {  	v14 =	vld.idx.msk [tilespmem:v14+s10+$0x0], $0xffff;
	_ =	sdelay $0x2  }
0x272: {  	v12 =	vshll.u32 v12, $0x1  }
0x273: {  	v12 =	vor.u32 v56, v12  }
0x274: {  	s1 =	sor.u32 $0x1300, s26;
	v13 =	vand.u32 $0x7, v12;
	[tilespmem:s23+$0x5680] =	vst v14  }
0x275: {  	v13 =	vshll.u32 v13, $0x7;
	v14 =	vld [tilespmem:s1+$0x0]  }
0x276: {  	v13 =	vor.u32 $0xE, v13;
	_ =	sdelay $0x2  }
0x277: {  	v12 =	vshll.u32 v12, $0x1  }
0x278: {  	v12 =	vor.u32 v14, v12  }
0x279: {  	v13 =	vld.idx.msk [tilespmem:v13+s10+$0x0], $0xffff;
	v12 =	vand.u32 $0x7, v12  }
0x27a: {  	v57 =	vshll.u32 v12, $0x7  }
0x27b: {  	v14 =	vor.u32 $0xF, v57;
	_ =	sdelay $0x2  }
0x27c: {  	v11 =	vld.idx.msk [tilespmem:v11+s10+$0x0], $0xffff;
	s7 =	sor.u32 $0x1380, s2;
	[tilespmem:s1+$0x4400] =	vst v13  }
0x27d: {  	v13 =	vld [tilespmem:s7+$0x0]  }
0x27e: {  	v14 =	vld.idx.msk [tilespmem:v14+s10+$0x0], $0xffff;
	_ =	sdelay $0x3  }
0x27f: {  	[tilespmem:s24+$0x5680] =	vst v11;
	v12 =	vshll.u32 v12, $0x1  }
0x280: {  	v59 =	vld [tilespmem:s3+$0x0];
	v58 =	vor.u32 v13, v12;
	[tilespmem:s7+$0x4400] =	vst v14  }
0x281: {  	v12 =	vand.u32 $0x7, v58;
	v14 =	vld [tilespmem:s23+$0x2000]  }
0x282: {  	v12 =	vshll.u32 v12, $0x7  }
0x283: {  	v12 =	vor.u32 $0x10, v12;
	_ =	sdelay $0x1  }
0x284: {  	v4 =	vld.idx.msk [tilespmem:v4+s10+$0x0], $0xffff;
	v3 =	vor.u32 v59, v3;
	v11 =	vshll.u32 v58, $0x1  }
0x285: {  	v3 =	vand.u32 $0x7, v3;
	v11 =	vor.u32 v14, v11  }
0x286: {  	v60 =	vshll.u32 v3, $0x7;
	v61 =	vld [tilespmem:s23+$0x2080];
	v11 =	vand.u32 $0x7, v11  }
0x287: {  	v13 =	vor.u32 $0xF, v60;
	v12 =	vld.idx.msk [tilespmem:v12+s10+$0x0], $0xffff;
	v15 =	vshll.u32 v11, $0x7  }
0x288: {  	v15 =	vor.u32 $0x11, v15  }
0x289: {  	[tilespmem:s3+$0x4400] =	vst v4  }
0x28a: {  	v4 =	vld [tilespmem:s8+$0x0];
	v11 =	vshll.u32 v11, $0x1  }
0x28b: {  	v18 =	vld [tilespmem:s23+$0x2100];
	v11 =	vor.u32 v61, v11  }
0x28c: {  	v62 =	vld.idx.msk [tilespmem:v13+s10+$0x0], $0xffff;
	[tilespmem:s23+$0x6400] =	vst v12;
	v63 =	vand.u32 $0x7, v11  }
0x28d: {  	v13 =	vshll.u32 v63, $0x7;
	v15 =	vld.idx.msk [tilespmem:v15+s10+$0x0], $0xffff  }
0x28e: {  	v13 =	vor.u32 $0x12, v13  }
0x28f: {  	v3 =	vshll.u32 v3, $0x1  }
0x290: {  	v3 =	vor.u32 v4, v3;
	v19 =	vshll.u32 v11, $0x1  }
0x291: {  	v20 =	vand.u32 $0x7, v3;
	[tilespmem:s8+$0x4400] =	vst v62;
	v4 =	vor.u32 v18, v19  }
0x292: {  	v12 =	vld [tilespmem:s24+$0x2000];
	v11 =	vshll.u32 v20, $0x7;
	v4 =	vand.u32 $0x7, v4;
	[tilespmem:s23+$0x6480] =	vst v15  }
0x293: {  	v11 =	vor.u32 $0x10, v11;
	v21 =	vshll.u32 v4, $0x7;
	v13 =	vld.idx.msk [tilespmem:v13+s10+$0x0], $0xffff  }
0x294: {  	v14 =	vor.u32 $0x13, v21;
	_ =	sdelay $0x1  }
0x295: {  	v3 =	vshll.u32 v3, $0x1  }
0x296: {  	v22 =	vld [tilespmem:s24+$0x2080];
	v3 =	vor.u32 v12, v3  }
0x297: {  	v3 =	vand.u32 $0x7, v3;
	v11 =	vld.idx.msk [tilespmem:v11+s10+$0x0], $0xffff;
	[tilespmem:s23+$0x6500] =	vst v13  }
0x298: {  	s8 =	sor.u32 $0x2180, s25;
	v23 =	vshll.u32 v3, $0x7;
	v14 =	vld.idx.msk [tilespmem:v14+s10+$0x0], $0xffff  }
0x299: {  	v13 =	vor.u32 $0x11, v23;
	v15 =	vld [tilespmem:s8+$0x0];
	_ =	sdelay $0x2  }
0x29a: {  	v3 =	vshll.u32 v3, $0x1  }
0x29b: {  	v16 =	vld [tilespmem:s24+$0x2100];
	v4 =	vshll.u32 v4, $0x1;
	v3 =	vor.u32 v22, v3;
	[tilespmem:s24+$0x6400] =	vst v11  }
0x29c: {  	v24 =	vand.u32 $0x7, v3;
	v25 =	vld.idx.msk [tilespmem:v13+s10+$0x0], $0xffff;
	[tilespmem:s8+$0x4400] =	vst v14;
	v4 =	vor.u32 v15, v4  }
0x29d: {  	v11 =	vshll.u32 v24, $0x7;
	v26 =	vld [tilespmem:s23+$0x2200];
	v27 =	vand.u32 $0x7, v4  }
0x29e: {  	v11 =	vor.u32 $0x12, v11;
	v14 =	vshll.u32 v27, $0x7  }
0x29f: {  	v14 =	vor.u32 $0x14, v14  }
0x2a0: {  	v3 =	vshll.u32 v3, $0x1  }
0x2a1: {  	v3 =	vor.u32 v16, v3;
	v4 =	vshll.u32 v4, $0x1  }
0x2a2: {  	v28 =	vld [tilespmem:s24+$0x2180];
	v3 =	vand.u32 $0x7, v3;
	[tilespmem:s24+$0x6480] =	vst v25;
	v4 =	vor.u32 v26, v4  }
0x2a3: {  	v30 =	vshll.u32 v3, $0x7;
	v11 =	vld.idx.msk [tilespmem:v11+s10+$0x0], $0xffff;
	v4 =	vand.u32 $0x7, v4  }
0x2a4: {  	v12 =	vor.u32 $0x13, v30;
	v31 =	vld.idx.msk [tilespmem:v14+s10+$0x0], $0xffff;
	v32 =	vshll.u32 v4, $0x7  }
0x2a5: {  	v14 =	vor.u32 $0x15, v32  }
0x2a6: {  	v3 =	vshll.u32 v3, $0x1  }
0x2a7: {  	v17 =	vld [tilespmem:s24+$0x2200];
	v3 =	vor.u32 v28, v3  }
0x2a8: {  	v15 =	vand.u32 $0x7, v3;
	v34 =	vld [tilespmem:s23+$0x2280];
	[tilespmem:s24+$0x6500] =	vst v11  }
0x2a9: {  	v33 =	vshll.u32 v15, $0x7;
	v12 =	vld.idx.msk [tilespmem:v12+s10+$0x0], $0xffff;
	[tilespmem:s23+$0x6600] =	vst v31  }
0x2aa: {  	v11 =	vor.u32 $0x14, v33;
	v14 =	vld.idx.msk [tilespmem:v14+s10+$0x0], $0xffff;
	_ =	sdelay $0x1  }
0x2ab: {  	v3 =	vshll.u32 v3, $0x1  }
0x2ac: {  	v3 =	vor.u32 v17, v3;
	v4 =	vshll.u32 v4, $0x1  }
0x2ad: {  	v3 =	vand.u32 $0x7, v3;
	v4 =	vor.u32 v34, v4;
	[tilespmem:s24+$0x6580] =	vst v12  }
0x2ae: {  	s12 =	sor.u32 $0x2300, s26;
	v35 =	vshll.u32 v3, $0x7;
	v13 =	vand.u32 $0x7, v4;
	v11 =	vld.idx.msk [tilespmem:v11+s10+$0x0], $0xffff;
	[tilespmem:s23+$0x6680] =	vst v14  }
0x2af: {  	v13 =	vshll.u32 v13, $0x7;
	v12 =	vor.u32 $0x15, v35;
	v14 =	vld [tilespmem:s12+$0x0]  }
0x2b0: {  	v13 =	vor.u32 $0x16, v13;
	_ =	sdelay $0x1  }
0x2b1: {  	v29 =	vld [tilespmem:s24+$0x2280]  }
0x2b2: {  	v4 =	vshll.u32 v4, $0x1;
	[tilespmem:s24+$0x6600] =	vst v11  }
0x2b3: {  	v12 =	vld.idx.msk [tilespmem:v12+s10+$0x0], $0xffff;
	v4 =	vor.u32 v14, v4  }
0x2b4: {  	v13 =	vld.idx.msk [tilespmem:v13+s10+$0x0], $0xffff;
	v4 =	vand.u32 $0x7, v4  }
0x2b5: {  	v3 =	vshll.u32 v3, $0x1;
	v37 =	vshll.u32 v4, $0x7  }
0x2b6: {  	v3 =	vor.u32 v29, v3;
	v38 =	vor.u32 $0x17, v37  }
0x2b7: {  	v36 =	vand.u32 $0x7, v3  }
0x2b8: {  	v11 =	vshll.u32 v36, $0x7;
	[tilespmem:s24+$0x6680] =	vst v12  }
0x2b9: {  	s14 =	sor.u32 $0x2380, s2;
	v11 =	vor.u32 $0x16, v11;
	[tilespmem:s12+$0x4400] =	vst v13;
	v39 =	vld [tilespmem:s29+$0x0]  }
0x2ba: {  	v13 =	vld [tilespmem:s14+$0x0]  }
0x2bb: {  	v12 =	vld.idx.msk [tilespmem:v38+s10+$0x0], $0xffff;
	_ =	sdelay $0x1  }
0x2bc: {  	v3 =	vshll.u32 v3, $0x1  }
0x2bd: {  	v11 =	vld.idx.msk [tilespmem:v11+s10+$0x0], $0xffff;
	v3 =	vor.u32 v39, v3  }
0x2be: {  	v4 =	vshll.u32 v4, $0x1;
	v3 =	vand.u32 $0x7, v3  }
0x2bf: {  	v4 =	vor.u32 v13, v4;
	v40 =	vshll.u32 v3, $0x7;
	[tilespmem:s14+$0x4400] =	vst v12  }
0x2c0: {  	v44 =	vand.u32 $0x7, v4;
	v42 =	vor.u32 $0x17, v40;
	v45 =	vld [tilespmem:s23+$0x3000]  }
0x2c1: {  	v12 =	vshll.u32 v44, $0x7  }
0x2c2: {  	[tilespmem:s29+$0x4400] =	vst v11;
	v12 =	vor.u32 $0x18, v12  }
0x2c3: {  	v41 =	vld [tilespmem:s9+$0x0]  }
0x2c4: {  	v8 =	vor.u32 v9, v8;
	v4 =	vshll.u32 v4, $0x1  }
0x2c5: {  	v43 =	vand.u32 $0x7, v8;
	v9 =	vld.idx.msk [tilespmem:v42+s10+$0x0], $0xffff;
	v4 =	vor.u32 v45, v4  }
0x2c6: {  	v11 =	vshll.u32 v43, $0x7;
	v50 =	vld [tilespmem:s23+$0x3080];
	v4 =	vand.u32 $0x7, v4  }
0x2c7: {  	v11 =	vor.u32 $0x18, v11;
	v3 =	vshll.u32 v3, $0x1;
	v12 =	vld.idx.msk [tilespmem:v12+s10+$0x0], $0xffff;
	v49 =	vshll.u32 v4, $0x7  }
0x2c8: {  	[tilespmem:s11+$0x4400] =	vst v6;
	v48 =	vor.u32 $0x1B, v10;
	v3 =	vor.u32 v41, v3;
	v10 =	vor.u32 $0x19, v49  }
0x2c9: {  	v47 =	vld [tilespmem:s17+$0x3000];
	v14 =	vand.u32 $0x7, v3  }
0x2ca: {  	v56 =	vld [tilespmem:s23+$0x3100];
	v46 =	vshll.u32 v14, $0x7;
	v4 =	vshll.u32 v4, $0x1;
	[tilespmem:s9+$0x4400] =	vst v9  }
0x2cb: {  	v6 =	vor.u32 $0x18, v46;
	v4 =	vor.u32 v50, v4;
	v51 =	vld [tilespmem:s24+$0x3000]  }
0x2cc: {  	v11 =	vld.idx.msk [tilespmem:v11+s10+$0x0], $0xffff;
	v55 =	vand.u32 $0x7, v4;
	[tilespmem:s23+$0x7400] =	vst v12  }
0x2cd: {  	v8 =	vshll.u32 v8, $0x1;
	v12 =	vshll.u32 v55, $0x7;
	v10 =	vld.idx.msk [tilespmem:v10+s10+$0x0], $0xffff  }
0x2ce: {  	v53 =	vld [tilespmem:s17+$0x3080];
	[tilespmem:s16+$0x7500] =	vst v7;
	v8 =	vor.u32 v47, v8;
	v58 =	vor.u32 $0x1A, v12  }
0x2cf: {  	v52 =	vand.u32 $0x7, v8;
	v3 =	vshll.u32 v3, $0x1;
	v9 =	vld.idx.msk [tilespmem:v48+s10+$0x0], $0xffff  }
0x2d0: {  	v54 =	vshll.u32 v52, $0x7;
	v6 =	vld.idx.msk [tilespmem:v6+s10+$0x0], $0xffff;
	v3 =	vor.u32 v51, v3  }
0x2d1: {  	s15 =	sor.u32 $0x3180, s19;
	[tilespmem:s17+$0x7400] =	vst v11;
	v11 =	vor.u32 $0x19, v54;
	v59 =	vld [tilespmem:s24+$0x3080];
	v4 =	vshll.u32 v4, $0x1;
	v3 =	vand.u32 $0x7, v3  }
0x2d2: {  	v61 =	vld [tilespmem:s15+$0x0];
	v4 =	vor.u32 v56, v4;
	v60 =	vshll.u32 v3, $0x7;
	[tilespmem:s23+$0x7480] =	vst v10  }
0x2d3: {  	v4 =	vand.u32 $0x7, v4;
	v8 =	vor.u32 $0x19, v60;
	v7 =	vld.idx.msk [tilespmem:v58+s10+$0x0], $0xffff  }
0x2d4: {  	v57 =	vshll.u32 v52, $0x1;
	v63 =	vld [tilespmem:s17+$0x3100];
	v20 =	vshll.u32 v4, $0x7  }
0x2d5: {  	v22 =	vld [tilespmem:s24+$0x3100];
	[tilespmem:s24+$0x7400] =	vst v6;
	v6 =	vor.u32 v53, v57;
	v3 =	vshll.u32 v3, $0x1;
	v10 =	vor.u32 $0x1B, v20  }
0x2d6: {  	v5 =	vshll.u32 v5, $0x1;
	v11 =	vld.idx.msk [tilespmem:v11+s10+$0x0], $0xffff;
	[tilespmem:s15+$0x4400] =	vst v9;
	v62 =	vand.u32 $0x7, v6;
	v3 =	vor.u32 v59, v3  }
0x2d7: {  	v5 =	vor.u32 v61, v5;
	v9 =	vld [tilespmem:s16+$0x3200];
	v15 =	vshll.u32 v62, $0x7;
	v12 =	vand.u32 $0x7, v3  }
0x2d8: {  	s19 =	sor.u32 $0x3180, s25;
	v21 =	vand.u32 $0x7, v5;
	v15 =	vor.u32 $0x1A, v15;
	v12 =	vshll.u32 v12, $0x7;
	v8 =	vld.idx.msk [tilespmem:v8+s10+$0x0], $0xffff;
	[tilespmem:s23+$0x7500] =	vst v7  }
0x2d9: {  	v13 =	vshll.u32 v21, $0x7;
	v12 =	vor.u32 $0x1A, v12;
	v26 =	vld [tilespmem:s19+$0x0]  }
0x2da: {  	v13 =	vor.u32 $0x1C, v13;
	v6 =	vshll.u32 v6, $0x1;
	v27 =	vld.idx.msk [tilespmem:v10+s10+$0x0], $0xffff  }
0x2db: {  	v5 =	vshll.u32 v5, $0x1;
	v24 =	vld [tilespmem:s17+$0x3180];
	v6 =	vor.u32 v63, v6;
	v3 =	vshll.u32 v3, $0x1  }
0x2dc: {  	v29 =	vld [tilespmem:s24+$0x3180];
	v4 =	vshll.u32 v4, $0x1;
	[tilespmem:s17+$0x7480] =	vst v11;
	v6 =	vand.u32 $0x7, v6;
	v3 =	vor.u32 v22, v3  }
0x2dd: {  	v25 =	vshll.u32 v6, $0x7;
	v6 =	vshll.u32 v6, $0x1;
	v3 =	vand.u32 $0x7, v3;
	v23 =	vld.idx.msk [tilespmem:v15+s10+$0x0], $0xffff;
	[tilespmem:s24+$0x7480] =	vst v8  }
0x2de: {  	v5 =	vor.u32 v9, v5;
	v31 =	vshll.u32 v3, $0x7;
	v7 =	vor.u32 $0x1B, v25;
	v8 =	vld.idx.msk [tilespmem:v12+s10+$0x0], $0xffff  }
0x2df: {  	v30 =	vld.idx.msk [tilespmem:v13+s10+$0x0], $0xffff;
	v5 =	vand.u32 $0x7, v5;
	v13 =	vor.u32 $0x1B, v31;
	v4 =	vor.u32 v26, v4;
	[tilespmem:s19+$0x4400] =	vst v27  }
0x2e0: {  	v6 =	vor.u32 v24, v6;
	v28 =	vshll.u32 v5, $0x7;
	v36 =	vand.u32 $0x7, v4;
	v37 =	vld [tilespmem:s23+$0x3200]  }
0x2e1: {  	v33 =	vld [tilespmem:s17+$0x3200];
	v3 =	vshll.u32 v3, $0x1;
	v34 =	vor.u32 $0x1D, v28;
	v14 =	vshll.u32 v36, $0x7  }
0x2e2: {  	v40 =	vld [tilespmem:s24+$0x3200];
	v32 =	vand.u32 $0x7, v6;
	v3 =	vor.u32 v29, v3;
	[tilespmem:s17+$0x7500] =	vst v23;
	v14 =	vor.u32 $0x1C, v14  }
0x2e3: {  	v35 =	vshll.u32 v32, $0x7;
	v39 =	vand.u32 $0x7, v3;
	v7 =	vld.idx.msk [tilespmem:v7+s10+$0x0], $0xffff;
	[tilespmem:s24+$0x7500] =	vst v8  }
0x2e4: {  	v10 =	vor.u32 $0x1C, v35;
	v4 =	vshll.u32 v4, $0x1;
	v8 =	vshll.u32 v39, $0x7;
	v41 =	vld.idx.msk [tilespmem:v13+s10+$0x0], $0xffff  }
0x2e5: {  	v48 =	vld [tilespmem:s16+$0x3280];
	[tilespmem:s16+$0x7600] =	vst v30;
	v42 =	vor.u32 $0x1C, v8;
	v4 =	vor.u32 v37, v4  }
0x2e6: {  	v6 =	vshll.u32 v6, $0x1;
	v9 =	vld.idx.msk [tilespmem:v34+s10+$0x0], $0xffff;
	v4 =	vand.u32 $0x7, v4  }
0x2e7: {  	v6 =	vor.u32 v33, v6;
	v3 =	vshll.u32 v3, $0x1;
	v45 =	vld.idx.msk [tilespmem:v14+s10+$0x0], $0xffff;
	v46 =	vshll.u32 v4, $0x7  }
0x2e8: {  	v38 =	vld [tilespmem:s17+$0x3280];
	v6 =	vand.u32 $0x7, v6;
	v3 =	vor.u32 v40, v3;
	[tilespmem:s17+$0x7580] =	vst v7;
	v14 =	vor.u32 $0x1D, v46  }
0x2e9: {  	v5 =	vshll.u32 v5, $0x1;
	v44 =	vshll.u32 v6, $0x7;
	v3 =	vand.u32 $0x7, v3;
	v43 =	vld.idx.msk [tilespmem:v10+s10+$0x0], $0xffff;
	[tilespmem:s24+$0x7580] =	vst v41  }
0x2ea: {  	v52 =	vor.u32 v48, v5;
	v49 =	vshll.u32 v3, $0x7;
	v10 =	vor.u32 $0x1D, v44;
	v7 =	vld.idx.msk [tilespmem:v42+s10+$0x0], $0xffff  }
0x2eb: {  	s20 =	sor.u32 $0x3300, s18;
	v5 =	vand.u32 $0x7, v52;
	v51 =	vld [tilespmem:s23+$0x3280];
	[tilespmem:s16+$0x7680] =	vst v9;
	v9 =	vor.u32 $0x1D, v49  }
0x2ec: {  	v5 =	vshll.u32 v5, $0x7;
	v50 =	vld [tilespmem:s20+$0x0];
	[tilespmem:s23+$0x7600] =	vst v45  }
0x2ed: {  	v5 =	vor.u32 $0x1E, v5;
	v14 =	vld.idx.msk [tilespmem:v14+s10+$0x0], $0xffff  }
0x2ee: {  	v47 =	vld [tilespmem:s24+$0x3280];
	[tilespmem:s17+$0x7600] =	vst v43  }
0x2ef: {  	v0 =	vshll.u32 v0, $0x7;
	v10 =	vld.idx.msk [tilespmem:v10+s10+$0x0], $0xffff;
	[tilespmem:s24+$0x7600] =	vst v7  }
0x2f0: {  	v0 =	vor.u32 v1, v0;
	v1 =	vshll.u32 v52, $0x8;
	v6 =	vshll.u32 v6, $0x1;
	v7 =	vld.idx.msk [tilespmem:v9+s10+$0x0], $0xffff  }
0x2f1: {  	v6 =	vor.u32 v38, v6;
	v4 =	vshll.u32 v4, $0x1;
	v8 =	vshll.u32 v50, $0x7  }
0x2f2: {  	s25 =	sor.u32 $0x3300, s26;
	v3 =	vshll.u32 v3, $0x1;
	v5 =	vld.idx.msk [tilespmem:v5+s10+$0x0], $0xffff;
	v4 =	vor.u32 v51, v4;
	v1 =	vor.u32 v1, v8;
	[tilespmem:s23+$0x7680] =	vst v14  }
0x2f3: {  	v3 =	vor.u32 v47, v3;
	v54 =	vand.u32 $0x7, v4;
	v1 =	vand.u32 $0x380, v1;
	v55 =	vld [tilespmem:s25+$0x0]  }
0x2f4: {  	v11 =	vand.u32 $0x7, v3;
	v1 =	vor.u32 $0x1F, v1;
	[tilespmem:s17+$0x7680] =	vst v10;
	v10 =	vshll.u32 v54, $0x7  }
0x2f5: {  	v56 =	vand.u32 $0x7, v6;
	v58 =	vshll.u32 v11, $0x7;
	v53 =	vld [tilespmem:s31+$0x0];
	v10 =	vor.u32 $0x1E, v10;
	[tilespmem:s24+$0x7680] =	vst v7  }
0x2f6: {  	v8 =	vor.u32 $0x1E, v58;
	v7 =	vshll.u32 v56, $0x7;
	v57 =	vld [tilespmem:s30+$0x0]  }
0x2f7: {  	v0 =	vand.u32 $0x380, v0;
	v7 =	vor.u32 $0x1E, v7  }
0x2f8: {  	v0 =	vor.u32 $0x1F, v0;
	[tilespmem:s20+$0x4400] =	vst v5;
	v4 =	vshll.u32 v4, $0x8;
	v59 =	vshll.u32 v55, $0x7  }
0x2f9: {  	v6 =	vshll.u32 v6, $0x8;
	v1 =	vld.idx.msk [tilespmem:v1+s10+$0x0], $0xffff;
	v4 =	vor.u32 v4, v59  }
0x2fa: {  	v3 =	vshll.u32 v3, $0x8;
	v9 =	vshll.u32 v53, $0x7;
	v60 =	vld.idx.msk [tilespmem:v10+s10+$0x0], $0xffff;
	v4 =	vand.u32 $0x380, v4  }
0x2fb: {  	v8 =	vld.idx.msk [tilespmem:v8+s10+$0x0], $0xffff;
	v6 =	vor.u32 v6, v9;
	v61 =	vshll.u32 v57, $0x7;
	v4 =	vor.u32 $0x1F, v4  }
0x2fc: {  	[tilespmem:s0+$0x4400] =	vst v2;
	s26 =	sadd.s32 $0x7780, s22;
	v6 =	vand.u32 $0x380, v6;
	v7 =	vld.idx.msk [tilespmem:v7+s10+$0x0], $0xffff;
	v3 =	vor.u32 v3, v61  }
0x2fd: {  	v0 =	vld.idx.msk [tilespmem:v0+s10+$0x0], $0xffff;
	s28 =	sor.u32 s21, s26;
	v6 =	vor.u32 $0x1F, v6;
	v3 =	vand.u32 $0x380, v3  }
0x2fe: {  	[tilespmem:s28+$0x0] =	vst v1;
	v3 =	vor.u32 $0x1F, v3  }
0x2ff: {  	[tilespmem:s25+$0x4400] =	vst v60  }
0x300: {  	[tilespmem:s30+$0x4400] =	vst v8;
	v62 =	vld.idx.msk [tilespmem:v4+s10+$0x0], $0xffff  }
0x301: {  	[tilespmem:s31+$0x4400] =	vst v7  }
0x302: {  	v63 =	vld.idx.msk [tilespmem:v6+s10+$0x0], $0xffff;
	s1 =	rddreg [dreg:$0x5];
	[tilespmem:s13+$0x0] =	vst v0  }
0x303: {  	s1 =	sadd.s32 $0x7780, s1;
	s2 =	rddreg [dreg:$0x6];
	v3 =	vld.idx.msk [tilespmem:v3+s10+$0x0], $0xffff  }
0x304: {  	s2 =	sor.u32 s2, s1  }
0x305: {  	s3 =	rddreg [dreg:$0x4];
	[tilespmem:s2+$0x0] =	vst v62  }
0x306: {  	s0 =	sor.u32 s3, s26;
	s2 =	rddreg [dreg:$0x7]  }
0x307: {  	[tilespmem:s0+$0x0] =	vst v63;
	s1 =	sor.u32 s2, s1  }
0x308: {  	s4 =	simm.s32 $0x1;
	s29 =	simm.s32 $0x4400;
	[tilespmem:s1+$0x0] =	vst v3  }
0x309: {  	s2 =	simm.s32 $0x20000;
	s1 =	simm.s32 $0x1000;
	s0 =	rddreg [dreg:$0xa]  }
0x30a: {  	[hbm4b:s0+s1] =	stream.strided.scatter [tilespmem:s29], [sflag:$0x1], $0x4000, s2, s1, $0x38;
	[tilespmem:$0x8400] =	vst v63  }
0x30b: {  	_ =	swait.ge [sflag:s4], $0x4000  }
0x30c: {  	s30 =	rddreg [dreg:$0xc]  }
0x30d: {  	s31 =	rddreg [dreg:$0xb];
	s3 =	sadd.s32 $0x1, s30  }
0x30e: {  	p0 =	sne.s32 s3, s31  }
.Ltmp1:
0x30f: {  	_ = 	snop;
	(pc) =	sbr.rel @p0 .LBB2_1-.Ltmp1, $3  }
0x310: {  	_ =	sdelay $0x1  }
0x311: {  	[sflag:s4] =	ssyncset.done $0x0  }
0x312: {  	[sflag:s4] =	ssyncadd.s32 $0xFFFFC000  }
0x313: {  	_ =	sfence.sel $0x180000  }
0x314: {  	[bflag:$0x0] =	sbarrier.arrive $0xFFFF  }
0x315: {  	_ =	strace $0x90000047  }
0x316: {  	s0 =	stileid.u32;
	[bflag:$0x2] =	sbarrier.arrive $0xFFFF  }
0x317: {  	p0 =	sne.s32 s0, $0x0;
	s0 =	rddreg [dreg:$0x3]  }
0x318: {  	s0 =	sadd.s32 @!p0 $0x100000, s0  }
0x319: {  	[sflag:s0] =	ssyncadd.tile.s32 @!p0 $0x1;
	_ =	shalt  }
.Lfunc_end2:
_tile_overlayer_lowered:
.L_overlay_start_2:
0x31a: {  	(tag) =	ssettag $0x2  }
0x31b: {  	s0 =	rddreg [dreg:$0x0];
	s2 =	stileid.u32  }
0x31c: {  	s1 =	rddreg [dreg:$0x1];
	p0 =	sne.s32 s2, $0x0  }
0x31d: {  	s3 =	rddreg [dreg:$0x2];
	[bflag:$0x3] =	sbarrier.arrive $0xFFFF;
	s2 =	simm.s32 @!p0 $0x1C01  }
0x31e: {  	[timem:s3], [sflag:s2] =	dma.local @!p0 [hbm:s0], s1  }
0x31f: {  	s0 =	simm.s32 @!p0 $0x1  }
0x320: {  	_ =	swait.ge @!p0 [sflag:s0], s1  }
0x321: {  	s1 =	ssub.s32 @!p0 $0x0, s1;
	[sflag:s0] =	ssyncset.done @!p0 $0x0  }
0x322: {  	[sflag:s0] =	ssyncadd.s32 @!p0 s1  }
0x323: {  	[bflag:$0x3] =	sbarrier.arrive $0xFFFF  }
0x324: {  	_ =	shalt  }

</sc_bundles>
